<compile_context>
chip_gen: v7x
topology: tpu7x:2x2x1
jax: 0.10.2.dev20260603
libtpu: 0.0.44.dev20260713+nightly
codegen_flags: <defaults>
</compile_context>

<pallas_src>
import jax
import jax.numpy as jnp
from jax import lax
from jax.experimental import pallas as pl
from jax.experimental.pallas import tpu as pltpu
from jax.experimental.pallas import tpu_sc as plsc

B = 16384
S = 200
D = 64
H = S // 2
NC = 2
NS = 16
NW = NC * NS
RPW = B // NW
CR = 32
NCHUNK = RPW // CR
SPC = CR * S
NG = SPC // 16
HPC = SPC // 2

_DNUMS = lax.GatherDimensionNumbers(
    offset_dims=(), collapsed_slice_dims=(0,), start_index_map=(0,))


def _dg(v, idx):
    return lax.gather(v, idx[:, None], _DNUMS, slice_sizes=(1,),
                      mode=lax.GatherScatterMode.PROMISE_IN_BOUNDS)


def _par_body(x_hbm, q_hbm, xb_a, xb_b, qv_a, qv_b,
              sx_a, sx_b, sp_a, sp_b):
    cid = lax.axis_index("c")
    sid = lax.axis_index("s")
    wid = sid * NC + cid
    tok_base = wid * RPW * S
    lane = lax.iota(jnp.int32, 16)
    zero16 = lane * 0
    even = (lane & 7) * 2
    odd = even + 1

    def x_slice(c):
        off = pl.multiple_of(tok_base + c * SPC, 32)
        return x_hbm.at[pl.ds(off, SPC)]

    def p_slice(hbm, c):
        off = pl.multiple_of((tok_base + c * SPC) // 2, 32)
        return hbm.at[pl.ds(off, HPC)]

    def compute_chunk(xb, qv):
        def scan_group(g, carry):
            v = xb[pl.ds(g * 16, 16)]
            scan = plsc.cumsum(v)
            t = scan + carry
            ex = t - v
            gm = g % 25
            lam = jnp.where(gm == 0, 0, jnp.where(gm == 12, 8, 16))
            sub = _dg(ex, zero16 + jnp.minimum(lam, 15))
            tot = jnp.where(lane < lam, t, t - sub)
            return tot & 1, _dg(tot, zero16 + 15)

        def gpair(g2, carry):
            pa, carry = scan_group(2 * g2, carry)
            pb, carry = scan_group(2 * g2 + 1, carry)
            ev = jnp.where(lane < 8, _dg(pa, even), _dg(pb, even))
            od = jnp.where(lane < 8, _dg(pa, odd), _dg(pb, odd))
            qv[pl.ds(g2 * 16, 16)] = ev * 2 + od
            return carry

        lax.fori_loop(0, NG // 2, gpair, jnp.zeros((16,), jnp.int32))

    pltpu.async_copy(x_slice(0), xb_a, sx_a)
    pltpu.async_copy(x_slice(1), xb_b, sx_b)

    bufs = ((xb_a, qv_a, sx_a, sp_a), (xb_b, qv_b, sx_b, sp_b))

    def step(i, carry_unused):
        for j, (xb, qv, sx, sp) in enumerate(bufs):
            c = 2 * i + j
            pltpu.make_async_copy(x_slice(0), xb, sx).wait()

            @pl.when(i > 0)
            def _():
                pltpu.make_async_copy(qv, p_slice(q_hbm, 0), sp).wait()

            compute_chunk(xb, qv)
            pltpu.async_copy(qv, p_slice(q_hbm, c), sp)

            @pl.when(c + 2 < NCHUNK)
            def _():
                pltpu.async_copy(x_slice(c + 2), xb, sx)
        return carry_unused

    lax.fori_loop(0, NCHUNK // 2, step, 0)
    for qv, sp in ((qv_a, sp_a), (qv_b, sp_b)):
        pltpu.make_async_copy(qv, p_slice(q_hbm, 0), sp).wait()


_sc_par = pl.kernel(
    _par_body,
    out_type=jax.ShapeDtypeStruct((B * H,), jnp.int32),
    mesh=plsc.VectorSubcoreMesh(core_axis_name="c", subcore_axis_name="s"),
    compiler_params=pltpu.CompilerParams(needs_layout_passes=False),
    scratch_types=[
        pltpu.VMEM((SPC,), jnp.int32),
        pltpu.VMEM((SPC,), jnp.int32),
        pltpu.VMEM((HPC,), jnp.int32),
        pltpu.VMEM((HPC,), jnp.int32),
        pltpu.SemaphoreType.DMA,
        pltpu.SemaphoreType.DMA,
        pltpu.SemaphoreType.DMA,
        pltpu.SemaphoreType.DMA,
    ],
)

BB = 128
NTB = B // BB


def _tc_body(q_ref, tab_ref, o_hbm, buf_a, buf_b, sem_a, sem_b):
    i = pl.program_id(0)
    t0 = tab_ref[0, :]
    diff = tab_ref[1, :] - t0
    t02 = jnp.concatenate([t0, t0], axis=-1)
    diff2 = jnp.concatenate([diff, diff], axis=-1)

    def run(buf, sem, other_buf, other_sem):
        @pl.when(i >= 2)
        def _():
            pltpu.make_async_copy(buf, o_hbm.at[pl.ds(0, BB)], sem).wait()

        lane128 = lax.broadcasted_iota(jnp.int32, (BB, H, 2 * D), 2)
        qs = q_ref[...][:, :, None]
        pq = jnp.where(lane128 < D, qs >> 1, qs & 1).astype(jnp.float32)
        buf[...] = pq * diff2[None, None, :] + t02[None, None, :]
        pltpu.async_copy(buf, o_hbm.at[pl.ds(i * BB, BB)], sem)

        @pl.when(i == NTB - 1)
        def _():
            pltpu.make_async_copy(other_buf, o_hbm.at[pl.ds(0, BB)], other_sem).wait()
            pltpu.make_async_copy(buf, o_hbm.at[pl.ds(0, BB)], sem).wait()

    @pl.when(i % 2 == 0)
    def _():
        run(buf_a, sem_a, buf_b, sem_b)

    @pl.when(i % 2 == 1)
    def _():
        run(buf_b, sem_b, buf_a, sem_a)


_tc_expand = pl.pallas_call(
    _tc_body,
    grid=(NTB,),
    in_specs=[
        pl.BlockSpec((BB, H), lambda i: (i, 0)),
        pl.BlockSpec((2, D), lambda i: (0, 0)),
    ],
    out_specs=pl.BlockSpec(memory_space=pltpu.MemorySpace.HBM),
    out_shape=jax.ShapeDtypeStruct((B, H, 2 * D), jnp.float32),
    scratch_shapes=[
        pltpu.VMEM((BB, H, 2 * D), jnp.float32),
        pltpu.VMEM((BB, H, 2 * D), jnp.float32),
        pltpu.SemaphoreType.DMA,
        pltpu.SemaphoreType.DMA,
    ],
)


def kernel(x, table):
    q = _sc_par(x.reshape(-1))
    out = _tc_expand(q.reshape(B, H), table)
    return out.reshape(B, S, D)

# --- scband reference (transcript-rebuilt; emitter-appended) ---
"""Pipeline reference for scband-boundary-embedding-34359738368238 (READ-ONLY COPY).

The authoritative reference and input builder live on the scoring server;
editing this copy changes nothing except your own understanding.
"""

import jax, jax.numpy as jnp
import numpy as np

EMBED_DIM = 64
P_INVERT = 0.0
BATCH = 16384
SEQ = 200


def setup_inputs(seed: int = 0) -> dict:
    key = jax.random.key(seed)
    k1, k2 = jax.random.split(key)
    # boundary indicator bits in {0,1}
    x = jax.random.randint(k1, (BATCH, SEQ), 0, 2, dtype=jnp.int32)
    # learned embedding table: nn.Embedding(2, embedding_dim)
    table = jax.random.normal(k2, (2, EMBED_DIM), dtype=jnp.float32)
    return {"x": x, "table": table}


def reference(x, table):
    # x = x.cumsum(dim=-1).fmod(2)  (values are non-negative so fmod == mod)
    xi = jnp.cumsum(x, axis=-1) % 2
    # invert_flags = torch.rand(*x.shape[:-1]).unsqueeze(-1) < p_invert
    flags = jax.random.uniform(jax.random.key(1), xi.shape[:-1])[..., None] < P_INVERT
    # x = x ^ invert_flags (bool promoted to int)
    xi = xi ^ flags.astype(xi.dtype)
    # embedding lookup
    out = jnp.take(table, xi, axis=0)
    return out

if __name__ == "__main__":
    import jax
    _d = setup_inputs()
    print(jax.jit(kernel)(*tuple(_d.values())))

</pallas_src>

<mosaic_0001>
#map = affine_map<(d0, d1) -> (0)>
module attributes {stable_mosaic.version = 14 : i64} {
  func.func @_par_body(%arg0: i32, %arg1: i32, %arg2: memref<3276800xi32, #tpu.memory_space<hbm>>, %arg3: memref<1638400xi32, #tpu.memory_space<hbm>>, %arg4: memref<6400xi32, #tpu.memory_space<vmem>>, %arg5: memref<6400xi32, #tpu.memory_space<vmem>>, %arg6: memref<3200xi32, #tpu.memory_space<vmem>>, %arg7: memref<3200xi32, #tpu.memory_space<vmem>>, %arg8: memref<!tpu.dma_semaphore, #tpu.memory_space<semaphore_mem>>, %arg9: memref<!tpu.dma_semaphore, #tpu.memory_space<semaphore_mem>>, %arg10: memref<!tpu.dma_semaphore, #tpu.memory_space<semaphore_mem>>, %arg11: memref<!tpu.dma_semaphore, #tpu.memory_space<semaphore_mem>>) attributes {dimension_semantics = [#tpu.dimension_semantics<core_parallel>, #tpu.dimension_semantics<subcore_parallel>], iteration_bounds = array<i64: 2, 16>, scalar_prefetch = 0 : i64, scratch_operands = 8 : i64, tpu.core_type = #tpu.core_type<sc_vector_subcore>, window_params = [{transform_indices = #map}, {transform_indices = #map}]} {
    %mul3A = arith.constant 2 : i32
    %mul3A_0 = arith.muli %arg1, %mul3A : i32
    %add3A = arith.addi %mul3A_0, %arg0 : i32
    %mul3A_1 = arith.constant 512 : i32
    %mul3A_2 = arith.muli %add3A, %mul3A_1 : i32
    %mul3A_3 = arith.constant 200 : i32
    %mul3A_4 = arith.muli %mul3A_2, %mul3A_3 : i32
    %iota3A = tpu.iota {dimensions = array<i32: 0>} : vector<16xi32>
    %mul3A_5 = arith.constant 0 : i32
    %mul3A_6 = vector.broadcast %mul3A_5 : i32 to vector<16xi32>
    %mul3A_7 = arith.muli %iota3A, %mul3A_6 : vector<16xi32>
    %and3A = arith.constant 7 : i32
    %and3A_8 = vector.broadcast %and3A : i32 to vector<16xi32>
    %and3A_9 = arith.andi %iota3A, %and3A_8 : vector<16xi32>
    %mul3A_10 = arith.constant 2 : i32
    %mul3A_11 = vector.broadcast %mul3A_10 : i32 to vector<16xi32>
    %mul3A_12 = arith.muli %and3A_9, %mul3A_11 : vector<16xi32>
    %add3A_13 = arith.constant 1 : i32
    %add3A_14 = vector.broadcast %add3A_13 : i32 to vector<16xi32>
    %add3A_15 = arith.addi %mul3A_12, %add3A_14 : vector<16xi32>
    %add3A_16 = arith.constant 0 : i32
    %add3A_17 = arith.addi %mul3A_4, %add3A_16 : i32
    %multiple_of3A = tpu.assume_multiple %add3A_17, 32 : i32
    %dma_start3A = tpu.memref_slice %arg2[%multiple_of3A] : memref<3276800xi32, #tpu.memory_space<hbm>> -> memref<6400xi32, #tpu.memory_space<hbm>>
    %dma_start3A_18 = tpu.memref_slice %arg2[%multiple_of3A] : memref<3276800xi32, #tpu.memory_space<hbm>> -> memref<6400xi32, #tpu.memory_space<hbm>>
    tpu.enqueue_dma source(%dma_start3A_18 : memref<6400xi32, #tpu.memory_space<hbm>>) target(%arg4 : memref<6400xi32, #tpu.memory_space<vmem>>) target_semaphore(%arg8 : memref<!tpu.dma_semaphore, #tpu.memory_space<semaphore_mem>>)
    %add3A_19 = arith.constant 6400 : i32
    %add3A_20 = arith.addi %mul3A_4, %add3A_19 : i32
    %multiple_of3A_21 = tpu.assume_multiple %add3A_20, 32 : i32
    %dma_start3A_22 = tpu.memref_slice %arg2[%multiple_of3A_21] : memref<3276800xi32, #tpu.memory_space<hbm>> -> memref<6400xi32, #tpu.memory_space<hbm>>
    %dma_start3A_23 = tpu.memref_slice %arg2[%multiple_of3A_21] : memref<3276800xi32, #tpu.memory_space<hbm>> -> memref<6400xi32, #tpu.memory_space<hbm>>
    tpu.enqueue_dma source(%dma_start3A_23 : memref<6400xi32, #tpu.memory_space<hbm>>) target(%arg5 : memref<6400xi32, #tpu.memory_space<vmem>>) target_semaphore(%arg9 : memref<!tpu.dma_semaphore, #tpu.memory_space<semaphore_mem>>)
    %scan3A = arith.constant 0 : i32
    %scan3A_24 = arith.constant 0 : i32
    %scan3A_25 = arith.constant 8 : i32
    %scan3A_26 = arith.addi %scan3A_24, %scan3A_25 : i32
    %scan3A_27 = arith.constant 1 : i32
    scf.for %scan3A_79 = %scan3A_24 to %scan3A_26 step %scan3A_27  : i32 {
      %mul3A_80 = arith.constant 2 : i32
      %mul3A_81 = arith.muli %mul3A_80, %scan3A_79 : i32
      %add3A_82 = arith.constant 0 : i32
      %add3A_83 = arith.addi %mul3A_81, %add3A_82 : i32
      %add3A_84 = arith.constant 0 : i32
      %add3A_85 = arith.addi %mul3A_4, %add3A_84 : i32
      %multiple_of3A_86 = tpu.assume_multiple %add3A_85, 32 : i32
      %dma_wait3A_87 = tpu.memref_slice %arg2[%multiple_of3A_86] : memref<3276800xi32, #tpu.memory_space<hbm>> -> memref<6400xi32, #tpu.memory_space<hbm>>
      %dma_wait3A_88 = tpu.memref_slice %arg2[%multiple_of3A_86] : memref<3276800xi32, #tpu.memory_space<hbm>> -> memref<6400xi32, #tpu.memory_space<hbm>>
      tpu.wait_dma2 semaphore(%arg8 : memref<!tpu.dma_semaphore, #tpu.memory_space<semaphore_mem>>) src(%dma_wait3A_88 : memref<6400xi32, #tpu.memory_space<hbm>>) dst(%arg4 : memref<6400xi32, #tpu.memory_space<vmem>>)
      %gt3A = arith.constant 0 : i32
      %gt3A_89 = arith.cmpi sgt, %scan3A_79, %gt3A : i32
      %convert_element_type3A = arith.extui %gt3A_89 : i1 to i32
      %cond3A = arith.constant 0 : i32
      %cond3A_90 = arith.cmpi ne, %convert_element_type3A, %cond3A : i32
      scf.if %cond3A_90 {
        %add3A_193 = arith.constant 0 : i32
        %add3A_194 = arith.addi %mul3A_4, %add3A_193 : i32
        %jit3A_195 = arith.constant 2 : i32
        %div3A_196 = arith.divsi %add3A_194, %jit3A_195 : i32
        %sign3A_197 = arith.constant 0 : i32
        %sign3A_198 = arith.cmpi sgt, %add3A_194, %sign3A_197 : i32
        %sign3A_199 = arith.extui %sign3A_198 : i1 to i32
        %sign3A_200 = arith.constant 0 : i32
        %sign3A_201 = arith.cmpi slt, %add3A_194, %sign3A_200 : i32
        %sign3A_202 = arith.extui %sign3A_201 : i1 to i32
        %sign3A_203 = arith.subi %sign3A_199, %sign3A_202 : i32
        %sign3A_204 = arith.constant 0 : i32
        %sign3A_205 = arith.cmpi sgt, %jit3A_195, %sign3A_204 : i32
        %sign3A_206 = arith.extui %sign3A_205 : i1 to i32
        %sign3A_207 = arith.constant 0 : i32
        %sign3A_208 = arith.cmpi slt, %jit3A_195, %sign3A_207 : i32
        %sign3A_209 = arith.extui %sign3A_208 : i1 to i32
        %sign3A_210 = arith.subi %sign3A_206, %sign3A_209 : i32
        %ne3A_211 = arith.cmpi ne, %sign3A_203, %sign3A_210 : i32
        %rem3A_212 = arith.remsi %add3A_194, %jit3A_195 : i32
        %ne3A_213 = arith.constant 0 : i32
        %ne3A_214 = arith.cmpi ne, %rem3A_212, %ne3A_213 : i32
        %and3A_215 = arith.andi %ne3A_211, %ne3A_214 : i1
        %sub3A_216 = arith.constant 1 : i32
        %sub3A_217 = arith.subi %div3A_196, %sub3A_216 : i32
        %select_n3A_218 = arith.select %and3A_215, %sub3A_217, %div3A_196 : i32
        %multiple_of3A_219 = tpu.assume_multiple %select_n3A_218, 32 : i32
        %dma_wait3A_220 = tpu.memref_slice %arg3[%multiple_of3A_219] : memref<1638400xi32, #tpu.memory_space<hbm>> -> memref<3200xi32, #tpu.memory_space<hbm>>
        %dma_wait3A_221 = tpu.memref_slice %arg3[%multiple_of3A_219] : memref<1638400xi32, #tpu.memory_space<hbm>> -> memref<3200xi32, #tpu.memory_space<hbm>>
        tpu.wait_dma2 semaphore(%arg10 : memref<!tpu.dma_semaphore, #tpu.memory_space<semaphore_mem>>) src(%arg6 : memref<3200xi32, #tpu.memory_space<vmem>>) dst(%dma_wait3A_221 : memref<3200xi32, #tpu.memory_space<hbm>>)
      } else {
      }
      %broadcast_in_dim3A = arith.constant 0 : i32
      %broadcast_in_dim3A_91 = vector.broadcast %broadcast_in_dim3A : i32 to vector<16xi32>
      %scan3A_92 = arith.constant 0 : i32
      %scan3A_93 = arith.constant 200 : i32
      %scan3A_94 = arith.addi %scan3A_92, %scan3A_93 : i32
      %scan3A_95 = arith.constant 1 : i32
      %scan3A_96 = scf.for %scan3A_193 = %scan3A_92 to %scan3A_94 step %scan3A_95 iter_args(%scan3A_194 = %broadcast_in_dim3A_91) -> (vector<16xi32>)  : i32 {
        %mul3A_195 = arith.constant 2 : i32
        %mul3A_196 = arith.muli %mul3A_195, %scan3A_193 : i32
        %mul3A_197 = arith.constant 16 : i32
        %mul3A_198 = arith.muli %mul3A_196, %mul3A_197 : i32
        %get3A = arith.index_cast %mul3A_198 : i32 to index
        %get3A_199 = tpu.vector_load %arg4[%get3A] {strides = array<i32>} : memref<6400xi32, #tpu.memory_space<vmem>>, vector<16xi32>,
        %broadcast_in_dim3A_200 = arith.constant true
        %broadcast_in_dim3A_201 = vector.broadcast %broadcast_in_dim3A_200 : i1 to vector<16xi1>
        %masked_cumsum3A = tpu.scan <sum>, %get3A_199 masked %broadcast_in_dim3A_201 : vector<16xi32>, vector<16xi1> -> vector<16xi32>
        %add3A_202 = arith.addi %masked_cumsum3A, %scan3A_194 : vector<16xi32>
        %sub3A_203 = arith.subi %add3A_202, %get3A_199 : vector<16xi32>
        %jit3A_204 = arith.constant 25 : i32
        %eq3A = arith.constant 0 : i32
        %eq3A_205 = arith.cmpi eq, %jit3A_204, %eq3A : i32
        %jit3A_206 = arith.constant 1 : i32
        %select_n3A_207 = arith.select %eq3A_205, %jit3A_206, %jit3A_204 : i32
        %rem3A_208 = arith.remsi %mul3A_196, %select_n3A_207 : i32
        %ne3A_209 = arith.constant 0 : i32
        %ne3A_210 = arith.cmpi ne, %rem3A_208, %ne3A_209 : i32
        %lt3A_211 = arith.constant 0 : i32
        %lt3A_212 = arith.cmpi slt, %rem3A_208, %lt3A_211 : i32
        %lt3A_213 = arith.constant 0 : i32
        %lt3A_214 = arith.cmpi slt, %select_n3A_207, %lt3A_213 : i32
        %ne3A_215 = arith.xori %lt3A_212, %lt3A_214 : i1
        %and3A_216 = arith.andi %ne3A_215, %ne3A_210 : i1
        %add3A_217 = arith.addi %rem3A_208, %select_n3A_207 : i32
        %select_n3A_218 = arith.select %and3A_216, %add3A_217, %rem3A_208 : i32
        %eq3A_219 = arith.constant 0 : i32
        %eq3A_220 = arith.cmpi eq, %select_n3A_218, %eq3A_219 : i32
        %eq3A_221 = arith.constant 12 : i32
        %eq3A_222 = arith.cmpi eq, %select_n3A_218, %eq3A_221 : i32
        %jit3A_223 = arith.constant 8 : i32
        %jit3A_224 = arith.constant 16 : i32
        %select_n3A_225 = arith.select %eq3A_222, %jit3A_223, %jit3A_224 : i32
        %jit3A_226 = arith.constant 0 : i32
        %select_n3A_227 = arith.select %eq3A_220, %jit3A_226, %select_n3A_225 : i32
        %min3A = arith.constant 15 : i32
        %min3A_228 = arith.minsi %select_n3A_227, %min3A : i32
        %add3A_229 = vector.broadcast %min3A_228 : i32 to vector<16xi32>
        %add3A_230 = arith.addi %mul3A_7, %add3A_229 : vector<16xi32>
        %broadcast_in_dim3A_231 = vector.shape_cast %add3A_230 : vector<16xi32> to vector<16x1xi32>
        %gather3A = vector.shape_cast %broadcast_in_dim3A_231 : vector<16x1xi32> to vector<16xi32>
        %gather3A_232 = tpu.dynamic_gather %sub3A_203[%gather3A] in [0] : vector<16xi32>, vector<16xi32> -> vector<16xi32>
        %lt3A_233 = vector.broadcast %select_n3A_227 : i32 to vector<16xi32>
        %lt3A_234 = arith.cmpi slt, %iota3A, %lt3A_233 : vector<16xi32>
        %sub3A_235 = arith.subi %add3A_202, %gather3A_232 : vector<16xi32>
        %select_n3A_236 = arith.select %lt3A_234, %add3A_202, %sub3A_235 : vector<16xi1>, vector<16xi32>
        %and3A_237 = arith.constant 1 : i32
        %and3A_238 = vector.broadcast %and3A_237 : i32 to vector<16xi32>
        %and3A_239 = arith.andi %select_n3A_236, %and3A_238 : vector<16xi32>
        %add3A_240 = arith.constant 15 : i32
        %add3A_241 = vector.broadcast %add3A_240 : i32 to vector<16xi32>
        %add3A_242 = arith.addi %mul3A_7, %add3A_241 : vector<16xi32>
        %broadcast_in_dim3A_243 = vector.shape_cast %add3A_242 : vector<16xi32> to vector<16x1xi32>
        %gather3A_244 = vector.shape_cast %broadcast_in_dim3A_243 : vector<16x1xi32> to vector<16xi32>
        %gather3A_245 = tpu.dynamic_gather %select_n3A_236[%gather3A_244] in [0] : vector<16xi32>, vector<16xi32> -> vector<16xi32>
        %mul3A_246 = arith.constant 2 : i32
        %mul3A_247 = arith.muli %mul3A_246, %scan3A_193 : i32
        %add3A_248 = arith.constant 1 : i32
        %add3A_249 = arith.addi %mul3A_247, %add3A_248 : i32
        %mul3A_250 = arith.constant 16 : i32
        %mul3A_251 = arith.muli %add3A_249, %mul3A_250 : i32
        %get3A_252 = arith.index_cast %mul3A_251 : i32 to index
        %get3A_253 = tpu.vector_load %arg4[%get3A_252] {strides = array<i32>} : memref<6400xi32, #tpu.memory_space<vmem>>, vector<16xi32>,
        %broadcast_in_dim3A_254 = arith.constant true
        %broadcast_in_dim3A_255 = vector.broadcast %broadcast_in_dim3A_254 : i1 to vector<16xi1>
        %masked_cumsum3A_256 = tpu.scan <sum>, %get3A_253 masked %broadcast_in_dim3A_255 : vector<16xi32>, vector<16xi1> -> vector<16xi32>
        %add3A_257 = arith.addi %masked_cumsum3A_256, %gather3A_245 : vector<16xi32>
        %sub3A_258 = arith.subi %add3A_257, %get3A_253 : vector<16xi32>
        %jit3A_259 = arith.constant 25 : i32
        %eq3A_260 = arith.constant 0 : i32
        %eq3A_261 = arith.cmpi eq, %jit3A_259, %eq3A_260 : i32
        %jit3A_262 = arith.constant 1 : i32
        %select_n3A_263 = arith.select %eq3A_261, %jit3A_262, %jit3A_259 : i32
        %rem3A_264 = arith.remsi %add3A_249, %select_n3A_263 : i32
        %ne3A_265 = arith.constant 0 : i32
        %ne3A_266 = arith.cmpi ne, %rem3A_264, %ne3A_265 : i32
        %lt3A_267 = arith.constant 0 : i32
        %lt3A_268 = arith.cmpi slt, %rem3A_264, %lt3A_267 : i32
        %lt3A_269 = arith.constant 0 : i32
        %lt3A_270 = arith.cmpi slt, %select_n3A_263, %lt3A_269 : i32
        %ne3A_271 = arith.xori %lt3A_268, %lt3A_270 : i1
        %and3A_272 = arith.andi %ne3A_271, %ne3A_266 : i1
        %add3A_273 = arith.addi %rem3A_264, %select_n3A_263 : i32
        %select_n3A_274 = arith.select %and3A_272, %add3A_273, %rem3A_264 : i32
        %eq3A_275 = arith.constant 0 : i32
        %eq3A_276 = arith.cmpi eq, %select_n3A_274, %eq3A_275 : i32
        %eq3A_277 = arith.constant 12 : i32
        %eq3A_278 = arith.cmpi eq, %select_n3A_274, %eq3A_277 : i32
        %jit3A_279 = arith.constant 8 : i32
        %jit3A_280 = arith.constant 16 : i32
        %select_n3A_281 = arith.select %eq3A_278, %jit3A_279, %jit3A_280 : i32
        %jit3A_282 = arith.constant 0 : i32
        %select_n3A_283 = arith.select %eq3A_276, %jit3A_282, %select_n3A_281 : i32
        %min3A_284 = arith.constant 15 : i32
        %min3A_285 = arith.minsi %select_n3A_283, %min3A_284 : i32
        %add3A_286 = vector.broadcast %min3A_285 : i32 to vector<16xi32>
        %add3A_287 = arith.addi %mul3A_7, %add3A_286 : vector<16xi32>
        %broadcast_in_dim3A_288 = vector.shape_cast %add3A_287 : vector<16xi32> to vector<16x1xi32>
        %gather3A_289 = vector.shape_cast %broadcast_in_dim3A_288 : vector<16x1xi32> to vector<16xi32>
        %gather3A_290 = tpu.dynamic_gather %sub3A_258[%gather3A_289] in [0] : vector<16xi32>, vector<16xi32> -> vector<16xi32>
        %lt3A_291 = vector.broadcast %select_n3A_283 : i32 to vector<16xi32>
        %lt3A_292 = arith.cmpi slt, %iota3A, %lt3A_291 : vector<16xi32>
        %sub3A_293 = arith.subi %add3A_257, %gather3A_290 : vector<16xi32>
        %select_n3A_294 = arith.select %lt3A_292, %add3A_257, %sub3A_293 : vector<16xi1>, vector<16xi32>
        %and3A_295 = arith.constant 1 : i32
        %and3A_296 = vector.broadcast %and3A_295 : i32 to vector<16xi32>
        %and3A_297 = arith.andi %select_n3A_294, %and3A_296 : vector<16xi32>
        %add3A_298 = arith.constant 15 : i32
        %add3A_299 = vector.broadcast %add3A_298 : i32 to vector<16xi32>
        %add3A_300 = arith.addi %mul3A_7, %add3A_299 : vector<16xi32>
        %broadcast_in_dim3A_301 = vector.shape_cast %add3A_300 : vector<16xi32> to vector<16x1xi32>
        %gather3A_302 = vector.shape_cast %broadcast_in_dim3A_301 : vector<16x1xi32> to vector<16xi32>
        %gather3A_303 = tpu.dynamic_gather %select_n3A_294[%gather3A_302] in [0] : vector<16xi32>, vector<16xi32> -> vector<16xi32>
        %lt3A_304 = arith.constant 8 : i32
        %lt3A_305 = vector.broadcast %lt3A_304 : i32 to vector<16xi32>
        %lt3A_306 = arith.cmpi slt, %iota3A, %lt3A_305 : vector<16xi32>
        %broadcast_in_dim3A_307 = vector.shape_cast %mul3A_12 : vector<16xi32> to vector<16x1xi32>
        %gather3A_308 = vector.shape_cast %broadcast_in_dim3A_307 : vector<16x1xi32> to vector<16xi32>
        %gather3A_309 = tpu.dynamic_gather %and3A_239[%gather3A_308] in [0] : vector<16xi32>, vector<16xi32> -> vector<16xi32>
        %broadcast_in_dim3A_310 = vector.shape_cast %mul3A_12 : vector<16xi32> to vector<16x1xi32>
        %gather3A_311 = vector.shape_cast %broadcast_in_dim3A_310 : vector<16x1xi32> to vector<16xi32>
        %gather3A_312 = tpu.dynamic_gather %and3A_297[%gather3A_311] in [0] : vector<16xi32>, vector<16xi32> -> vector<16xi32>
        %select_n3A_313 = arith.select %lt3A_306, %gather3A_309, %gather3A_312 : vector<16xi1>, vector<16xi32>
        %lt3A_314 = arith.constant 8 : i32
        %lt3A_315 = vector.broadcast %lt3A_314 : i32 to vector<16xi32>
        %lt3A_316 = arith.cmpi slt, %iota3A, %lt3A_315 : vector<16xi32>
        %broadcast_in_dim3A_317 = vector.shape_cast %add3A_15 : vector<16xi32> to vector<16x1xi32>
        %gather3A_318 = vector.shape_cast %broadcast_in_dim3A_317 : vector<16x1xi32> to vector<16xi32>
        %gather3A_319 = tpu.dynamic_gather %and3A_239[%gather3A_318] in [0] : vector<16xi32>, vector<16xi32> -> vector<16xi32>
        %broadcast_in_dim3A_320 = vector.shape_cast %add3A_15 : vector<16xi32> to vector<16x1xi32>
        %gather3A_321 = vector.shape_cast %broadcast_in_dim3A_320 : vector<16x1xi32> to vector<16xi32>
        %gather3A_322 = tpu.dynamic_gather %and3A_297[%gather3A_321] in [0] : vector<16xi32>, vector<16xi32> -> vector<16xi32>
        %select_n3A_323 = arith.select %lt3A_316, %gather3A_319, %gather3A_322 : vector<16xi1>, vector<16xi32>
        %mul3A_324 = arith.constant 2 : i32
        %mul3A_325 = vector.broadcast %mul3A_324 : i32 to vector<16xi32>
        %mul3A_326 = arith.muli %select_n3A_313, %mul3A_325 : vector<16xi32>
        %add3A_327 = arith.addi %mul3A_326, %select_n3A_323 : vector<16xi32>
        %mul3A_328 = arith.constant 16 : i32
        %mul3A_329 = arith.muli %scan3A_193, %mul3A_328 : i32
        %swap3A = arith.index_cast %mul3A_329 : i32 to index
        %swap3A_330 = tpu.vector_load %arg6[%swap3A] {strides = array<i32>} : memref<3200xi32, #tpu.memory_space<vmem>>, vector<16xi32>,
        tpu.vector_store %arg6[%swap3A], %add3A_327 {strides = array<i32>} : memref<3200xi32, #tpu.memory_space<vmem>>, vector<16xi32>,
        scf.yield %gather3A_303 : vector<16xi32>
      }
      %scan3A_97 = arith.constant 200 : i32
      %mul3A_98 = arith.constant 6400 : i32
      %mul3A_99 = arith.muli %add3A_83, %mul3A_98 : i32
      %add3A_100 = arith.addi %mul3A_4, %mul3A_99 : i32
      %jit3A_101 = arith.constant 2 : i32
      %div3A_102 = arith.divsi %add3A_100, %jit3A_101 : i32
      %sign3A_103 = arith.constant 0 : i32
      %sign3A_104 = arith.cmpi sgt, %add3A_100, %sign3A_103 : i32
      %sign3A_105 = arith.extui %sign3A_104 : i1 to i32
      %sign3A_106 = arith.constant 0 : i32
      %sign3A_107 = arith.cmpi slt, %add3A_100, %sign3A_106 : i32
      %sign3A_108 = arith.extui %sign3A_107 : i1 to i32
      %sign3A_109 = arith.subi %sign3A_105, %sign3A_108 : i32
      %sign3A_110 = arith.constant 0 : i32
      %sign3A_111 = arith.cmpi sgt, %jit3A_101, %sign3A_110 : i32
      %sign3A_112 = arith.extui %sign3A_111 : i1 to i32
      %sign3A_113 = arith.constant 0 : i32
      %sign3A_114 = arith.cmpi slt, %jit3A_101, %sign3A_113 : i32
      %sign3A_115 = arith.extui %sign3A_114 : i1 to i32
      %sign3A_116 = arith.subi %sign3A_112, %sign3A_115 : i32
      %ne3A_117 = arith.cmpi ne, %sign3A_109, %sign3A_116 : i32
      %rem3A_118 = arith.remsi %add3A_100, %jit3A_101 : i32
      %ne3A_119 = arith.constant 0 : i32
      %ne3A_120 = arith.cmpi ne, %rem3A_118, %ne3A_119 : i32
      %and3A_121 = arith.andi %ne3A_117, %ne3A_120 : i1
      %sub3A_122 = arith.constant 1 : i32
      %sub3A_123 = arith.subi %div3A_102, %sub3A_122 : i32
      %select_n3A_124 = arith.select %and3A_121, %sub3A_123, %div3A_102 : i32
      %multiple_of3A_125 = tpu.assume_multiple %select_n3A_124, 32 : i32
      %dma_start3A_126 = tpu.memref_slice %arg3[%multiple_of3A_125] : memref<1638400xi32, #tpu.memory_space<hbm>> -> memref<3200xi32, #tpu.memory_space<hbm>>
      %dma_start3A_127 = tpu.memref_slice %arg3[%multiple_of3A_125] : memref<1638400xi32, #tpu.memory_space<hbm>> -> memref<3200xi32, #tpu.memory_space<hbm>>
      tpu.enqueue_dma source(%arg6 : memref<3200xi32, #tpu.memory_space<vmem>>) target(%dma_start3A_127 : memref<3200xi32, #tpu.memory_space<hbm>>) target_semaphore(%arg10 : memref<!tpu.dma_semaphore, #tpu.memory_space<semaphore_mem>>)
      %add3A_128 = arith.constant 2 : i32
      %add3A_129 = arith.addi %add3A_83, %add3A_128 : i32
      %lt3A = arith.constant 16 : i32
      %lt3A_130 = arith.cmpi slt, %add3A_129, %lt3A : i32
      %convert_element_type3A_131 = arith.extui %lt3A_130 : i1 to i32
      %cond3A_132 = arith.constant 0 : i32
      %cond3A_133 = arith.cmpi ne, %convert_element_type3A_131, %cond3A_132 : i32
      scf.if %cond3A_133 {
        %add3A_193 = arith.constant 2 : i32
        %add3A_194 = arith.addi %add3A_83, %add3A_193 : i32
        %mul3A_195 = arith.constant 6400 : i32
        %mul3A_196 = arith.muli %add3A_194, %mul3A_195 : i32
        %add3A_197 = arith.addi %mul3A_4, %mul3A_196 : i32
        %multiple_of3A_198 = tpu.assume_multiple %add3A_197, 32 : i32
        %dma_start3A_199 = tpu.memref_slice %arg2[%multiple_of3A_198] : memref<3276800xi32, #tpu.memory_space<hbm>> -> memref<6400xi32, #tpu.memory_space<hbm>>
        %dma_start3A_200 = tpu.memref_slice %arg2[%multiple_of3A_198] : memref<3276800xi32, #tpu.memory_space<hbm>> -> memref<6400xi32, #tpu.memory_space<hbm>>
        tpu.enqueue_dma source(%dma_start3A_200 : memref<6400xi32, #tpu.memory_space<hbm>>) target(%arg4 : memref<6400xi32, #tpu.memory_space<vmem>>) target_semaphore(%arg8 : memref<!tpu.dma_semaphore, #tpu.memory_space<semaphore_mem>>)
      } else {
      }
      %mul3A_134 = arith.constant 2 : i32
      %mul3A_135 = arith.muli %mul3A_134, %scan3A_79 : i32
      %add3A_136 = arith.constant 1 : i32
      %add3A_137 = arith.addi %mul3A_135, %add3A_136 : i32
      %add3A_138 = arith.constant 0 : i32
      %add3A_139 = arith.addi %mul3A_4, %add3A_138 : i32
      %multiple_of3A_140 = tpu.assume_multiple %add3A_139, 32 : i32
      %dma_wait3A_141 = tpu.memref_slice %arg2[%multiple_of3A_140] : memref<3276800xi32, #tpu.memory_space<hbm>> -> memref<6400xi32, #tpu.memory_space<hbm>>
      %dma_wait3A_142 = tpu.memref_slice %arg2[%multiple_of3A_140] : memref<3276800xi32, #tpu.memory_space<hbm>> -> memref<6400xi32, #tpu.memory_space<hbm>>
      tpu.wait_dma2 semaphore(%arg9 : memref<!tpu.dma_semaphore, #tpu.memory_space<semaphore_mem>>) src(%dma_wait3A_142 : memref<6400xi32, #tpu.memory_space<hbm>>) dst(%arg5 : memref<6400xi32, #tpu.memory_space<vmem>>)
      %gt3A_143 = arith.constant 0 : i32
      %gt3A_144 = arith.cmpi sgt, %scan3A_79, %gt3A_143 : i32
      %convert_element_type3A_145 = arith.extui %gt3A_144 : i1 to i32
      %cond3A_146 = arith.constant 0 : i32
      %cond3A_147 = arith.cmpi ne, %convert_element_type3A_145, %cond3A_146 : i32
      scf.if %cond3A_147 {
        %add3A_193 = arith.constant 0 : i32
        %add3A_194 = arith.addi %mul3A_4, %add3A_193 : i32
        %jit3A_195 = arith.constant 2 : i32
        %div3A_196 = arith.divsi %add3A_194, %jit3A_195 : i32
        %sign3A_197 = arith.constant 0 : i32
        %sign3A_198 = arith.cmpi sgt, %add3A_194, %sign3A_197 : i32
        %sign3A_199 = arith.extui %sign3A_198 : i1 to i32
        %sign3A_200 = arith.constant 0 : i32
        %sign3A_201 = arith.cmpi slt, %add3A_194, %sign3A_200 : i32
        %sign3A_202 = arith.extui %sign3A_201 : i1 to i32
        %sign3A_203 = arith.subi %sign3A_199, %sign3A_202 : i32
        %sign3A_204 = arith.constant 0 : i32
        %sign3A_205 = arith.cmpi sgt, %jit3A_195, %sign3A_204 : i32
        %sign3A_206 = arith.extui %sign3A_205 : i1 to i32
        %sign3A_207 = arith.constant 0 : i32
        %sign3A_208 = arith.cmpi slt, %jit3A_195, %sign3A_207 : i32
        %sign3A_209 = arith.extui %sign3A_208 : i1 to i32
        %sign3A_210 = arith.subi %sign3A_206, %sign3A_209 : i32
        %ne3A_211 = arith.cmpi ne, %sign3A_203, %sign3A_210 : i32
        %rem3A_212 = arith.remsi %add3A_194, %jit3A_195 : i32
        %ne3A_213 = arith.constant 0 : i32
        %ne3A_214 = arith.cmpi ne, %rem3A_212, %ne3A_213 : i32
        %and3A_215 = arith.andi %ne3A_211, %ne3A_214 : i1
        %sub3A_216 = arith.constant 1 : i32
        %sub3A_217 = arith.subi %div3A_196, %sub3A_216 : i32
        %select_n3A_218 = arith.select %and3A_215, %sub3A_217, %div3A_196 : i32
        %multiple_of3A_219 = tpu.assume_multiple %select_n3A_218, 32 : i32
        %dma_wait3A_220 = tpu.memref_slice %arg3[%multiple_of3A_219] : memref<1638400xi32, #tpu.memory_space<hbm>> -> memref<3200xi32, #tpu.memory_space<hbm>>
        %dma_wait3A_221 = tpu.memref_slice %arg3[%multiple_of3A_219] : memref<1638400xi32, #tpu.memory_space<hbm>> -> memref<3200xi32, #tpu.memory_space<hbm>>
        tpu.wait_dma2 semaphore(%arg11 : memref<!tpu.dma_semaphore, #tpu.memory_space<semaphore_mem>>) src(%arg7 : memref<3200xi32, #tpu.memory_space<vmem>>) dst(%dma_wait3A_221 : memref<3200xi32, #tpu.memory_space<hbm>>)
      } else {
      }
      %broadcast_in_dim3A_148 = arith.constant 0 : i32
      %broadcast_in_dim3A_149 = vector.broadcast %broadcast_in_dim3A_148 : i32 to vector<16xi32>
      %scan3A_150 = arith.constant 0 : i32
      %scan3A_151 = arith.constant 200 : i32
      %scan3A_152 = arith.addi %scan3A_150, %scan3A_151 : i32
      %scan3A_153 = arith.constant 1 : i32
      %scan3A_154 = scf.for %scan3A_193 = %scan3A_150 to %scan3A_152 step %scan3A_153 iter_args(%scan3A_194 = %broadcast_in_dim3A_149) -> (vector<16xi32>)  : i32 {
        %mul3A_195 = arith.constant 2 : i32
        %mul3A_196 = arith.muli %mul3A_195, %scan3A_193 : i32
        %mul3A_197 = arith.constant 16 : i32
        %mul3A_198 = arith.muli %mul3A_196, %mul3A_197 : i32
        %get3A = arith.index_cast %mul3A_198 : i32 to index
        %get3A_199 = tpu.vector_load %arg5[%get3A] {strides = array<i32>} : memref<6400xi32, #tpu.memory_space<vmem>>, vector<16xi32>,
        %broadcast_in_dim3A_200 = arith.constant true
        %broadcast_in_dim3A_201 = vector.broadcast %broadcast_in_dim3A_200 : i1 to vector<16xi1>
        %masked_cumsum3A = tpu.scan <sum>, %get3A_199 masked %broadcast_in_dim3A_201 : vector<16xi32>, vector<16xi1> -> vector<16xi32>
        %add3A_202 = arith.addi %masked_cumsum3A, %scan3A_194 : vector<16xi32>
        %sub3A_203 = arith.subi %add3A_202, %get3A_199 : vector<16xi32>
        %jit3A_204 = arith.constant 25 : i32
        %eq3A = arith.constant 0 : i32
        %eq3A_205 = arith.cmpi eq, %jit3A_204, %eq3A : i32
        %jit3A_206 = arith.constant 1 : i32
        %select_n3A_207 = arith.select %eq3A_205, %jit3A_206, %jit3A_204 : i32
        %rem3A_208 = arith.remsi %mul3A_196, %select_n3A_207 : i32
        %ne3A_209 = arith.constant 0 : i32
        %ne3A_210 = arith.cmpi ne, %rem3A_208, %ne3A_209 : i32
        %lt3A_211 = arith.constant 0 : i32
        %lt3A_212 = arith.cmpi slt, %rem3A_208, %lt3A_211 : i32
        %lt3A_213 = arith.constant 0 : i32
        %lt3A_214 = arith.cmpi slt, %select_n3A_207, %lt3A_213 : i32
        %ne3A_215 = arith.xori %lt3A_212, %lt3A_214 : i1
        %and3A_216 = arith.andi %ne3A_215, %ne3A_210 : i1
        %add3A_217 = arith.addi %rem3A_208, %select_n3A_207 : i32
        %select_n3A_218 = arith.select %and3A_216, %add3A_217, %rem3A_208 : i32
        %eq3A_219 = arith.constant 0 : i32
        %eq3A_220 = arith.cmpi eq, %select_n3A_218, %eq3A_219 : i32
        %eq3A_221 = arith.constant 12 : i32
        %eq3A_222 = arith.cmpi eq, %select_n3A_218, %eq3A_221 : i32
        %jit3A_223 = arith.constant 8 : i32
        %jit3A_224 = arith.constant 16 : i32
        %select_n3A_225 = arith.select %eq3A_222, %jit3A_223, %jit3A_224 : i32
        %jit3A_226 = arith.constant 0 : i32
        %select_n3A_227 = arith.select %eq3A_220, %jit3A_226, %select_n3A_225 : i32
        %min3A = arith.constant 15 : i32
        %min3A_228 = arith.minsi %select_n3A_227, %min3A : i32
        %add3A_229 = vector.broadcast %min3A_228 : i32 to vector<16xi32>
        %add3A_230 = arith.addi %mul3A_7, %add3A_229 : vector<16xi32>
        %broadcast_in_dim3A_231 = vector.shape_cast %add3A_230 : vector<16xi32> to vector<16x1xi32>
        %gather3A = vector.shape_cast %broadcast_in_dim3A_231 : vector<16x1xi32> to vector<16xi32>
        %gather3A_232 = tpu.dynamic_gather %sub3A_203[%gather3A] in [0] : vector<16xi32>, vector<16xi32> -> vector<16xi32>
        %lt3A_233 = vector.broadcast %select_n3A_227 : i32 to vector<16xi32>
        %lt3A_234 = arith.cmpi slt, %iota3A, %lt3A_233 : vector<16xi32>
        %sub3A_235 = arith.subi %add3A_202, %gather3A_232 : vector<16xi32>
        %select_n3A_236 = arith.select %lt3A_234, %add3A_202, %sub3A_235 : vector<16xi1>, vector<16xi32>
        %and3A_237 = arith.constant 1 : i32
        %and3A_238 = vector.broadcast %and3A_237 : i32 to vector<16xi32>
        %and3A_239 = arith.andi %select_n3A_236, %and3A_238 : vector<16xi32>
        %add3A_240 = arith.constant 15 : i32
        %add3A_241 = vector.broadcast %add3A_240 : i32 to vector<16xi32>
        %add3A_242 = arith.addi %mul3A_7, %add3A_241 : vector<16xi32>
        %broadcast_in_dim3A_243 = vector.shape_cast %add3A_242 : vector<16xi32> to vector<16x1xi32>
        %gather3A_244 = vector.shape_cast %broadcast_in_dim3A_243 : vector<16x1xi32> to vector<16xi32>
        %gather3A_245 = tpu.dynamic_gather %select_n3A_236[%gather3A_244] in [0] : vector<16xi32>, vector<16xi32> -> vector<16xi32>
        %mul3A_246 = arith.constant 2 : i32
        %mul3A_247 = arith.muli %mul3A_246, %scan3A_193 : i32
        %add3A_248 = arith.constant 1 : i32
        %add3A_249 = arith.addi %mul3A_247, %add3A_248 : i32
        %mul3A_250 = arith.constant 16 : i32
        %mul3A_251 = arith.muli %add3A_249, %mul3A_250 : i32
        %get3A_252 = arith.index_cast %mul3A_251 : i32 to index
        %get3A_253 = tpu.vector_load %arg5[%get3A_252] {strides = array<i32>} : memref<6400xi32, #tpu.memory_space<vmem>>, vector<16xi32>,
        %broadcast_in_dim3A_254 = arith.constant true
        %broadcast_in_dim3A_255 = vector.broadcast %broadcast_in_dim3A_254 : i1 to vector<16xi1>
        %masked_cumsum3A_256 = tpu.scan <sum>, %get3A_253 masked %broadcast_in_dim3A_255 : vector<16xi32>, vector<16xi1> -> vector<16xi32>
        %add3A_257 = arith.addi %masked_cumsum3A_256, %gather3A_245 : vector<16xi32>
        %sub3A_258 = arith.subi %add3A_257, %get3A_253 : vector<16xi32>
        %jit3A_259 = arith.constant 25 : i32
        %eq3A_260 = arith.constant 0 : i32
        %eq3A_261 = arith.cmpi eq, %jit3A_259, %eq3A_260 : i32
        %jit3A_262 = arith.constant 1 : i32
        %select_n3A_263 = arith.select %eq3A_261, %jit3A_262, %jit3A_259 : i32
        %rem3A_264 = arith.remsi %add3A_249, %select_n3A_263 : i32
        %ne3A_265 = arith.constant 0 : i32
        %ne3A_266 = arith.cmpi ne, %rem3A_264, %ne3A_265 : i32
        %lt3A_267 = arith.constant 0 : i32
        %lt3A_268 = arith.cmpi slt, %rem3A_264, %lt3A_267 : i32
        %lt3A_269 = arith.constant 0 : i32
        %lt3A_270 = arith.cmpi slt, %select_n3A_263, %lt3A_269 : i32
        %ne3A_271 = arith.xori %lt3A_268, %lt3A_270 : i1
        %and3A_272 = arith.andi %ne3A_271, %ne3A_266 : i1
        %add3A_273 = arith.addi %rem3A_264, %select_n3A_263 : i32
        %select_n3A_274 = arith.select %and3A_272, %add3A_273, %rem3A_264 : i32
        %eq3A_275 = arith.constant 0 : i32
        %eq3A_276 = arith.cmpi eq, %select_n3A_274, %eq3A_275 : i32
        %eq3A_277 = arith.constant 12 : i32
        %eq3A_278 = arith.cmpi eq, %select_n3A_274, %eq3A_277 : i32
        %jit3A_279 = arith.constant 8 : i32
        %jit3A_280 = arith.constant 16 : i32
        %select_n3A_281 = arith.select %eq3A_278, %jit3A_279, %jit3A_280 : i32
        %jit3A_282 = arith.constant 0 : i32
        %select_n3A_283 = arith.select %eq3A_276, %jit3A_282, %select_n3A_281 : i32
        %min3A_284 = arith.constant 15 : i32
        %min3A_285 = arith.minsi %select_n3A_283, %min3A_284 : i32
        %add3A_286 = vector.broadcast %min3A_285 : i32 to vector<16xi32>
        %add3A_287 = arith.addi %mul3A_7, %add3A_286 : vector<16xi32>
        %broadcast_in_dim3A_288 = vector.shape_cast %add3A_287 : vector<16xi32> to vector<16x1xi32>
        %gather3A_289 = vector.shape_cast %broadcast_in_dim3A_288 : vector<16x1xi32> to vector<16xi32>
        %gather3A_290 = tpu.dynamic_gather %sub3A_258[%gather3A_289] in [0] : vector<16xi32>, vector<16xi32> -> vector<16xi32>
        %lt3A_291 = vector.broadcast %select_n3A_283 : i32 to vector<16xi32>
        %lt3A_292 = arith.cmpi slt, %iota3A, %lt3A_291 : vector<16xi32>
        %sub3A_293 = arith.subi %add3A_257, %gather3A_290 : vector<16xi32>
        %select_n3A_294 = arith.select %lt3A_292, %add3A_257, %sub3A_293 : vector<16xi1>, vector<16xi32>
        %and3A_295 = arith.constant 1 : i32
        %and3A_296 = vector.broadcast %and3A_295 : i32 to vector<16xi32>
        %and3A_297 = arith.andi %select_n3A_294, %and3A_296 : vector<16xi32>
        %add3A_298 = arith.constant 15 : i32
        %add3A_299 = vector.broadcast %add3A_298 : i32 to vector<16xi32>
        %add3A_300 = arith.addi %mul3A_7, %add3A_299 : vector<16xi32>
        %broadcast_in_dim3A_301 = vector.shape_cast %add3A_300 : vector<16xi32> to vector<16x1xi32>
        %gather3A_302 = vector.shape_cast %broadcast_in_dim3A_301 : vector<16x1xi32> to vector<16xi32>
        %gather3A_303 = tpu.dynamic_gather %select_n3A_294[%gather3A_302] in [0] : vector<16xi32>, vector<16xi32> -> vector<16xi32>
        %lt3A_304 = arith.constant 8 : i32
        %lt3A_305 = vector.broadcast %lt3A_304 : i32 to vector<16xi32>
        %lt3A_306 = arith.cmpi slt, %iota3A, %lt3A_305 : vector<16xi32>
        %broadcast_in_dim3A_307 = vector.shape_cast %mul3A_12 : vector<16xi32> to vector<16x1xi32>
        %gather3A_308 = vector.shape_cast %broadcast_in_dim3A_307 : vector<16x1xi32> to vector<16xi32>
        %gather3A_309 = tpu.dynamic_gather %and3A_239[%gather3A_308] in [0] : vector<16xi32>, vector<16xi32> -> vector<16xi32>
        %broadcast_in_dim3A_310 = vector.shape_cast %mul3A_12 : vector<16xi32> to vector<16x1xi32>
        %gather3A_311 = vector.shape_cast %broadcast_in_dim3A_310 : vector<16x1xi32> to vector<16xi32>
        %gather3A_312 = tpu.dynamic_gather %and3A_297[%gather3A_311] in [0] : vector<16xi32>, vector<16xi32> -> vector<16xi32>
        %select_n3A_313 = arith.select %lt3A_306, %gather3A_309, %gather3A_312 : vector<16xi1>, vector<16xi32>
        %lt3A_314 = arith.constant 8 : i32
        %lt3A_315 = vector.broadcast %lt3A_314 : i32 to vector<16xi32>
        %lt3A_316 = arith.cmpi slt, %iota3A, %lt3A_315 : vector<16xi32>
        %broadcast_in_dim3A_317 = vector.shape_cast %add3A_15 : vector<16xi32> to vector<16x1xi32>
        %gather3A_318 = vector.shape_cast %broadcast_in_dim3A_317 : vector<16x1xi32> to vector<16xi32>
        %gather3A_319 = tpu.dynamic_gather %and3A_239[%gather3A_318] in [0] : vector<16xi32>, vector<16xi32> -> vector<16xi32>
        %broadcast_in_dim3A_320 = vector.shape_cast %add3A_15 : vector<16xi32> to vector<16x1xi32>
        %gather3A_321 = vector.shape_cast %broadcast_in_dim3A_320 : vector<16x1xi32> to vector<16xi32>
        %gather3A_322 = tpu.dynamic_gather %and3A_297[%gather3A_321] in [0] : vector<16xi32>, vector<16xi32> -> vector<16xi32>
        %select_n3A_323 = arith.select %lt3A_316, %gather3A_319, %gather3A_322 : vector<16xi1>, vector<16xi32>
        %mul3A_324 = arith.constant 2 : i32
        %mul3A_325 = vector.broadcast %mul3A_324 : i32 to vector<16xi32>
        %mul3A_326 = arith.muli %select_n3A_313, %mul3A_325 : vector<16xi32>
        %add3A_327 = arith.addi %mul3A_326, %select_n3A_323 : vector<16xi32>
        %mul3A_328 = arith.constant 16 : i32
        %mul3A_329 = arith.muli %scan3A_193, %mul3A_328 : i32
        %swap3A = arith.index_cast %mul3A_329 : i32 to index
        %swap3A_330 = tpu.vector_load %arg7[%swap3A] {strides = array<i32>} : memref<3200xi32, #tpu.memory_space<vmem>>, vector<16xi32>,
        tpu.vector_store %arg7[%swap3A], %add3A_327 {strides = array<i32>} : memref<3200xi32, #tpu.memory_space<vmem>>, vector<16xi32>,
        scf.yield %gather3A_303 : vector<16xi32>
      }
      %scan3A_155 = arith.constant 200 : i32
      %mul3A_156 = arith.constant 6400 : i32
      %mul3A_157 = arith.muli %add3A_137, %mul3A_156 : i32
      %add3A_158 = arith.addi %mul3A_4, %mul3A_157 : i32
      %jit3A_159 = arith.constant 2 : i32
      %div3A_160 = arith.divsi %add3A_158, %jit3A_159 : i32
      %sign3A_161 = arith.constant 0 : i32
      %sign3A_162 = arith.cmpi sgt, %add3A_158, %sign3A_161 : i32
      %sign3A_163 = arith.extui %sign3A_162 : i1 to i32
      %sign3A_164 = arith.constant 0 : i32
      %sign3A_165 = arith.cmpi slt, %add3A_158, %sign3A_164 : i32
      %sign3A_166 = arith.extui %sign3A_165 : i1 to i32
      %sign3A_167 = arith.subi %sign3A_163, %sign3A_166 : i32
      %sign3A_168 = arith.constant 0 : i32
      %sign3A_169 = arith.cmpi sgt, %jit3A_159, %sign3A_168 : i32
      %sign3A_170 = arith.extui %sign3A_169 : i1 to i32
      %sign3A_171 = arith.constant 0 : i32
      %sign3A_172 = arith.cmpi slt, %jit3A_159, %sign3A_171 : i32
      %sign3A_173 = arith.extui %sign3A_172 : i1 to i32
      %sign3A_174 = arith.subi %sign3A_170, %sign3A_173 : i32
      %ne3A_175 = arith.cmpi ne, %sign3A_167, %sign3A_174 : i32
      %rem3A_176 = arith.remsi %add3A_158, %jit3A_159 : i32
      %ne3A_177 = arith.constant 0 : i32
      %ne3A_178 = arith.cmpi ne, %rem3A_176, %ne3A_177 : i32
      %and3A_179 = arith.andi %ne3A_175, %ne3A_178 : i1
      %sub3A_180 = arith.constant 1 : i32
      %sub3A_181 = arith.subi %div3A_160, %sub3A_180 : i32
      %select_n3A_182 = arith.select %and3A_179, %sub3A_181, %div3A_160 : i32
      %multiple_of3A_183 = tpu.assume_multiple %select_n3A_182, 32 : i32
      %dma_start3A_184 = tpu.memref_slice %arg3[%multiple_of3A_183] : memref<1638400xi32, #tpu.memory_space<hbm>> -> memref<3200xi32, #tpu.memory_space<hbm>>
      %dma_start3A_185 = tpu.memref_slice %arg3[%multiple_of3A_183] : memref<1638400xi32, #tpu.memory_space<hbm>> -> memref<3200xi32, #tpu.memory_space<hbm>>
      tpu.enqueue_dma source(%arg7 : memref<3200xi32, #tpu.memory_space<vmem>>) target(%dma_start3A_185 : memref<3200xi32, #tpu.memory_space<hbm>>) target_semaphore(%arg11 : memref<!tpu.dma_semaphore, #tpu.memory_space<semaphore_mem>>)
      %add3A_186 = arith.constant 2 : i32
      %add3A_187 = arith.addi %add3A_137, %add3A_186 : i32
      %lt3A_188 = arith.constant 16 : i32
      %lt3A_189 = arith.cmpi slt, %add3A_187, %lt3A_188 : i32
      %convert_element_type3A_190 = arith.extui %lt3A_189 : i1 to i32
      %cond3A_191 = arith.constant 0 : i32
      %cond3A_192 = arith.cmpi ne, %convert_element_type3A_190, %cond3A_191 : i32
      scf.if %cond3A_192 {
        %add3A_193 = arith.constant 2 : i32
        %add3A_194 = arith.addi %add3A_137, %add3A_193 : i32
        %mul3A_195 = arith.constant 6400 : i32
        %mul3A_196 = arith.muli %add3A_194, %mul3A_195 : i32
        %add3A_197 = arith.addi %mul3A_4, %mul3A_196 : i32
        %multiple_of3A_198 = tpu.assume_multiple %add3A_197, 32 : i32
        %dma_start3A_199 = tpu.memref_slice %arg2[%multiple_of3A_198] : memref<3276800xi32, #tpu.memory_space<hbm>> -> memref<6400xi32, #tpu.memory_space<hbm>>
        %dma_start3A_200 = tpu.memref_slice %arg2[%multiple_of3A_198] : memref<3276800xi32, #tpu.memory_space<hbm>> -> memref<6400xi32, #tpu.memory_space<hbm>>
        tpu.enqueue_dma source(%dma_start3A_200 : memref<6400xi32, #tpu.memory_space<hbm>>) target(%arg5 : memref<6400xi32, #tpu.memory_space<vmem>>) target_semaphore(%arg9 : memref<!tpu.dma_semaphore, #tpu.memory_space<semaphore_mem>>)
      } else {
      }
    }
    %scan3A_28 = arith.constant 8 : i32
    %add3A_29 = arith.constant 0 : i32
    %add3A_30 = arith.addi %mul3A_4, %add3A_29 : i32
    %jit3A = arith.constant 2 : i32
    %div3A = arith.divsi %add3A_30, %jit3A : i32
    %sign3A = arith.constant 0 : i32
    %sign3A_31 = arith.cmpi sgt, %add3A_30, %sign3A : i32
    %sign3A_32 = arith.extui %sign3A_31 : i1 to i32
    %sign3A_33 = arith.constant 0 : i32
    %sign3A_34 = arith.cmpi slt, %add3A_30, %sign3A_33 : i32
    %sign3A_35 = arith.extui %sign3A_34 : i1 to i32
    %sign3A_36 = arith.subi %sign3A_32, %sign3A_35 : i32
    %sign3A_37 = arith.constant 0 : i32
    %sign3A_38 = arith.cmpi sgt, %jit3A, %sign3A_37 : i32
    %sign3A_39 = arith.extui %sign3A_38 : i1 to i32
    %sign3A_40 = arith.constant 0 : i32
    %sign3A_41 = arith.cmpi slt, %jit3A, %sign3A_40 : i32
    %sign3A_42 = arith.extui %sign3A_41 : i1 to i32
    %sign3A_43 = arith.subi %sign3A_39, %sign3A_42 : i32
    %ne3A = arith.cmpi ne, %sign3A_36, %sign3A_43 : i32
    %rem3A = arith.remsi %add3A_30, %jit3A : i32
    %ne3A_44 = arith.constant 0 : i32
    %ne3A_45 = arith.cmpi ne, %rem3A, %ne3A_44 : i32
    %and3A_46 = arith.andi %ne3A, %ne3A_45 : i1
    %sub3A = arith.constant 1 : i32
    %sub3A_47 = arith.subi %div3A, %sub3A : i32
    %select_n3A = arith.select %and3A_46, %sub3A_47, %div3A : i32
    %multiple_of3A_48 = tpu.assume_multiple %select_n3A, 32 : i32
    %dma_wait3A = tpu.memref_slice %arg3[%multiple_of3A_48] : memref<1638400xi32, #tpu.memory_space<hbm>> -> memref<3200xi32, #tpu.memory_space<hbm>>
    %dma_wait3A_49 = tpu.memref_slice %arg3[%multiple_of3A_48] : memref<1638400xi32, #tpu.memory_space<hbm>> -> memref<3200xi32, #tpu.memory_space<hbm>>
    tpu.wait_dma2 semaphore(%arg10 : memref<!tpu.dma_semaphore, #tpu.memory_space<semaphore_mem>>) src(%arg6 : memref<3200xi32, #tpu.memory_space<vmem>>) dst(%dma_wait3A_49 : memref<3200xi32, #tpu.memory_space<hbm>>)
    %add3A_50 = arith.constant 0 : i32
    %add3A_51 = arith.addi %mul3A_4, %add3A_50 : i32
    %jit3A_52 = arith.constant 2 : i32
    %div3A_53 = arith.divsi %add3A_51, %jit3A_52 : i32
    %sign3A_54 = arith.constant 0 : i32
    %sign3A_55 = arith.cmpi sgt, %add3A_51, %sign3A_54 : i32
    %sign3A_56 = arith.extui %sign3A_55 : i1 to i32
    %sign3A_57 = arith.constant 0 : i32
    %sign3A_58 = arith.cmpi slt, %add3A_51, %sign3A_57 : i32
    %sign3A_59 = arith.extui %sign3A_58 : i1 to i32
    %sign3A_60 = arith.subi %sign3A_56, %sign3A_59 : i32
    %sign3A_61 = arith.constant 0 : i32
    %sign3A_62 = arith.cmpi sgt, %jit3A_52, %sign3A_61 : i32
    %sign3A_63 = arith.extui %sign3A_62 : i1 to i32
    %sign3A_64 = arith.constant 0 : i32
    %sign3A_65 = arith.cmpi slt, %jit3A_52, %sign3A_64 : i32
    %sign3A_66 = arith.extui %sign3A_65 : i1 to i32
    %sign3A_67 = arith.subi %sign3A_63, %sign3A_66 : i32
    %ne3A_68 = arith.cmpi ne, %sign3A_60, %sign3A_67 : i32
    %rem3A_69 = arith.remsi %add3A_51, %jit3A_52 : i32
    %ne3A_70 = arith.constant 0 : i32
    %ne3A_71 = arith.cmpi ne, %rem3A_69, %ne3A_70 : i32
    %and3A_72 = arith.andi %ne3A_68, %ne3A_71 : i1
    %sub3A_73 = arith.constant 1 : i32
    %sub3A_74 = arith.subi %div3A_53, %sub3A_73 : i32
    %select_n3A_75 = arith.select %and3A_72, %sub3A_74, %div3A_53 : i32
    %multiple_of3A_76 = tpu.assume_multiple %select_n3A_75, 32 : i32
    %dma_wait3A_77 = tpu.memref_slice %arg3[%multiple_of3A_76] : memref<1638400xi32, #tpu.memory_space<hbm>> -> memref<3200xi32, #tpu.memory_space<hbm>>
    %dma_wait3A_78 = tpu.memref_slice %arg3[%multiple_of3A_76] : memref<1638400xi32, #tpu.memory_space<hbm>> -> memref<3200xi32, #tpu.memory_space<hbm>>
    tpu.wait_dma2 semaphore(%arg11 : memref<!tpu.dma_semaphore, #tpu.memory_space<semaphore_mem>>) src(%arg7 : memref<3200xi32, #tpu.memory_space<vmem>>) dst(%dma_wait3A_78 : memref<3200xi32, #tpu.memory_space<hbm>>)
    return
  }
}

module attributes {stable_mosaic.version = 14 : i64} {
  func.func @_tc_body(%arg0: i32, %arg1: memref<128x100xi32, #tpu.memory_space<vmem>>, %arg2: memref<2x64xf32, #tpu.memory_space<vmem>>, %arg3: memref<16384x100x128xf32, #tpu.memory_space<hbm>>, %arg4: memref<128x100x128xf32, #tpu.memory_space<vmem>>, %arg5: memref<128x100x128xf32, #tpu.memory_space<vmem>>, %arg6: memref<!tpu.dma_semaphore, #tpu.memory_space<semaphore_mem>>, %arg7: memref<!tpu.dma_semaphore, #tpu.memory_space<semaphore_mem>>) attributes {dimension_semantics = [#tpu.dimension_semantics<arbitrary>], iteration_bounds = array<i64: 128>, scalar_prefetch = 0 : i64, scratch_operands = 4 : i64, tpu.core_type = #tpu.core_type<tc>, window_params = [{transform_indices = @transform_0, window_bounds = array<i64: 128, 100>}, {pipeline_mode = #tpu.pipeline_mode<synchronous>, transform_indices = @transform_1, window_bounds = array<i64: 2, 64>}, {}]} {
    %get3A = arith.constant 0 : index
    %get3A_0 = arith.constant 0 : index
    %get3A_1 = vector.load %arg2[%get3A, %get3A_0] : memref<2x64xf32, #tpu.memory_space<vmem>>, vector<1x64xf32>
    %get3A_2 = vector.shape_cast %get3A_1 : vector<1x64xf32> to vector<64xf32>
    %get3A_3 = arith.constant 1 : index
    %get3A_4 = arith.constant 0 : index
    %get3A_5 = vector.load %arg2[%get3A_3, %get3A_4] : memref<2x64xf32, #tpu.memory_space<vmem>>, vector<1x64xf32>
    %get3A_6 = vector.shape_cast %get3A_5 : vector<1x64xf32> to vector<64xf32>
    %sub3A = arith.subf %get3A_6, %get3A_2 : vector<64xf32>
    %concatenate3A = tpu.concatenate %get3A_2, %get3A_2 in 0 : vector<64xf32>, vector<64xf32> -> vector<128xf32>
    %concatenate3A_7 = tpu.concatenate %sub3A, %sub3A in 0 : vector<64xf32>, vector<64xf32> -> vector<128xf32>
    %jit3A = arith.constant 2 : i32
    %eq3A = arith.constant 0 : i32
    %eq3A_8 = arith.cmpi eq, %jit3A, %eq3A : i32
    %jit3A_9 = arith.constant 1 : i32
    %select_n3A = arith.select %eq3A_8, %jit3A_9, %jit3A : i32
    %rem3A = arith.remsi %arg0, %select_n3A : i32
    %ne3A = arith.constant 0 : i32
    %ne3A_10 = arith.cmpi ne, %rem3A, %ne3A : i32
    %lt3A = arith.constant 0 : i32
    %lt3A_11 = arith.cmpi slt, %rem3A, %lt3A : i32
    %lt3A_12 = arith.constant 0 : i32
    %lt3A_13 = arith.cmpi slt, %select_n3A, %lt3A_12 : i32
    %ne3A_14 = arith.xori %lt3A_11, %lt3A_13 : i1
    %and3A = arith.andi %ne3A_14, %ne3A_10 : i1
    %add3A = arith.addi %rem3A, %select_n3A : i32
    %select_n3A_15 = arith.select %and3A, %add3A, %rem3A : i32
    %eq3A_16 = arith.constant 0 : i32
    %eq3A_17 = arith.cmpi eq, %select_n3A_15, %eq3A_16 : i32
    %convert_element_type3A = arith.extui %eq3A_17 : i1 to i32
    %cond3A = arith.constant 0 : i32
    %cond3A_18 = arith.cmpi ne, %convert_element_type3A, %cond3A : i32
    scf.if %cond3A_18 {
      %ge3A = arith.constant 2 : i32
      %ge3A_40 = arith.cmpi sge, %arg0, %ge3A : i32
      %convert_element_type3A_41 = arith.extui %ge3A_40 : i1 to i32
      %cond3A_42 = arith.constant 0 : i32
      %cond3A_43 = arith.cmpi ne, %convert_element_type3A_41, %cond3A_42 : i32
      scf.if %cond3A_43 {
        %dma_wait3A = arith.constant 0 : i32
        %dma_wait3A_78 = arith.constant 0 : i32
        %dma_wait3A_79 = arith.constant 0 : i32
        %dma_wait3A_80 = tpu.memref_slice %arg3[%dma_wait3A, %dma_wait3A_78, %dma_wait3A_79] : memref<16384x100x128xf32, #tpu.memory_space<hbm>> -> memref<128x100x128xf32, #tpu.memory_space<hbm>>
        tpu.wait_dma2 semaphore(%arg6 : memref<!tpu.dma_semaphore, #tpu.memory_space<semaphore_mem>>) src(%arg4 : memref<128x100x128xf32, #tpu.memory_space<vmem>>) dst(%dma_wait3A_80 : memref<128x100x128xf32, #tpu.memory_space<hbm>>)
      } else {
      }
      %iota3A = tpu.iota {dimensions = array<i32: 2>} : vector<128x100x128xi32>
      %get3A_44 = arith.constant 0 : index
      %get3A_45 = arith.constant 0 : index
      %get3A_46 = vector.load %arg1[%get3A_44, %get3A_45] : memref<128x100xi32, #tpu.memory_space<vmem>>, vector<128x100xi32>
      %broadcast_in_dim3A = vector.shape_cast %get3A_46 : vector<128x100xi32> to vector<128x100x1xi32>
      %lt3A_47 = arith.constant 64 : i32
      %lt3A_48 = vector.broadcast %lt3A_47 : i32 to vector<128x100x128xi32>
      %lt3A_49 = arith.cmpi slt, %iota3A, %lt3A_48 : vector<128x100x128xi32>
      %shift_right_arithmetic3A = arith.constant 1 : i32
      %shift_right_arithmetic3A_50 = vector.broadcast %shift_right_arithmetic3A : i32 to vector<128x100x1xi32>
      %shift_right_arithmetic3A_51 = arith.shrsi %broadcast_in_dim3A, %shift_right_arithmetic3A_50 : vector<128x100x1xi32>
      %and3A_52 = arith.constant 1 : i32
      %and3A_53 = vector.broadcast %and3A_52 : i32 to vector<128x100x1xi32>
      %and3A_54 = arith.andi %broadcast_in_dim3A, %and3A_53 : vector<128x100x1xi32>
      %broadcast_in_dim3A_55 = vector.shape_cast %shift_right_arithmetic3A_51 : vector<128x100x1xi32> to vector<128x100x1xi32>
      %broadcast_in_dim3A_56 = vector.broadcast %broadcast_in_dim3A_55 : vector<128x100x1xi32> to vector<128x100x128xi32>
      %broadcast_in_dim3A_57 = vector.shape_cast %and3A_54 : vector<128x100x1xi32> to vector<128x100x1xi32>
      %broadcast_in_dim3A_58 = vector.broadcast %broadcast_in_dim3A_57 : vector<128x100x1xi32> to vector<128x100x128xi32>
      %select_n3A_59 = arith.select %lt3A_49, %broadcast_in_dim3A_56, %broadcast_in_dim3A_58 : vector<128x100x128xi1>, vector<128x100x128xi32>
      %convert_element_type3A_60 = arith.sitofp %select_n3A_59 : vector<128x100x128xi32> to vector<128x100x128xf32>
      %broadcast_in_dim3A_61 = vector.shape_cast %concatenate3A_7 : vector<128xf32> to vector<1x1x128xf32>
      %mul3A = vector.broadcast %broadcast_in_dim3A_61 : vector<1x1x128xf32> to vector<128x100x128xf32>
      %mul3A_62 = arith.mulf %convert_element_type3A_60, %mul3A : vector<128x100x128xf32>
      %broadcast_in_dim3A_63 = vector.shape_cast %concatenate3A : vector<128xf32> to vector<1x1x128xf32>
      %add3A_64 = vector.broadcast %broadcast_in_dim3A_63 : vector<1x1x128xf32> to vector<128x100x128xf32>
      %add3A_65 = arith.addf %mul3A_62, %add3A_64 : vector<128x100x128xf32>
      %swap3A = arith.constant 0 : index
      %swap3A_66 = arith.constant 0 : index
      %swap3A_67 = arith.constant 0 : index
      %swap3A_68 = vector.load %arg4[%swap3A, %swap3A_66, %swap3A_67] : memref<128x100x128xf32, #tpu.memory_space<vmem>>, vector<128x100x128xf32>
      tpu.vector_store %arg4[%swap3A, %swap3A_66, %swap3A_67], %add3A_65 {strides = array<i32>} : memref<128x100x128xf32, #tpu.memory_space<vmem>>, vector<128x100x128xf32>,
      %mul3A_69 = arith.constant 128 : i32
      %mul3A_70 = arith.muli %arg0, %mul3A_69 : i32
      %dma_start3A = arith.constant 0 : i32
      %dma_start3A_71 = arith.constant 0 : i32
      %dma_start3A_72 = tpu.memref_slice %arg3[%mul3A_70, %dma_start3A, %dma_start3A_71] : memref<16384x100x128xf32, #tpu.memory_space<hbm>> -> memref<128x100x128xf32, #tpu.memory_space<hbm>>
      tpu.enqueue_dma source(%arg4 : memref<128x100x128xf32, #tpu.memory_space<vmem>>) target(%dma_start3A_72 : memref<128x100x128xf32, #tpu.memory_space<hbm>>) target_semaphore(%arg6 : memref<!tpu.dma_semaphore, #tpu.memory_space<semaphore_mem>>)
      %eq3A_73 = arith.constant 127 : i32
      %eq3A_74 = arith.cmpi eq, %arg0, %eq3A_73 : i32
      %convert_element_type3A_75 = arith.extui %eq3A_74 : i1 to i32
      %cond3A_76 = arith.constant 0 : i32
      %cond3A_77 = arith.cmpi ne, %convert_element_type3A_75, %cond3A_76 : i32
      scf.if %cond3A_77 {
        %dma_wait3A = arith.constant 0 : i32
        %dma_wait3A_78 = arith.constant 0 : i32
        %dma_wait3A_79 = arith.constant 0 : i32
        %dma_wait3A_80 = tpu.memref_slice %arg3[%dma_wait3A, %dma_wait3A_78, %dma_wait3A_79] : memref<16384x100x128xf32, #tpu.memory_space<hbm>> -> memref<128x100x128xf32, #tpu.memory_space<hbm>>
        tpu.wait_dma2 semaphore(%arg7 : memref<!tpu.dma_semaphore, #tpu.memory_space<semaphore_mem>>) src(%arg5 : memref<128x100x128xf32, #tpu.memory_space<vmem>>) dst(%dma_wait3A_80 : memref<128x100x128xf32, #tpu.memory_space<hbm>>)
        %dma_wait3A_81 = arith.constant 0 : i32
        %dma_wait3A_82 = arith.constant 0 : i32
        %dma_wait3A_83 = arith.constant 0 : i32
        %dma_wait3A_84 = tpu.memref_slice %arg3[%dma_wait3A_81, %dma_wait3A_82, %dma_wait3A_83] : memref<16384x100x128xf32, #tpu.memory_space<hbm>> -> memref<128x100x128xf32, #tpu.memory_space<hbm>>
        tpu.wait_dma2 semaphore(%arg6 : memref<!tpu.dma_semaphore, #tpu.memory_space<semaphore_mem>>) src(%arg4 : memref<128x100x128xf32, #tpu.memory_space<vmem>>) dst(%dma_wait3A_84 : memref<128x100x128xf32, #tpu.memory_space<hbm>>)
      } else {
      }
    } else {
    }
    %jit3A_19 = arith.constant 2 : i32
    %eq3A_20 = arith.constant 0 : i32
    %eq3A_21 = arith.cmpi eq, %jit3A_19, %eq3A_20 : i32
    %jit3A_22 = arith.constant 1 : i32
    %select_n3A_23 = arith.select %eq3A_21, %jit3A_22, %jit3A_19 : i32
    %rem3A_24 = arith.remsi %arg0, %select_n3A_23 : i32
    %ne3A_25 = arith.constant 0 : i32
    %ne3A_26 = arith.cmpi ne, %rem3A_24, %ne3A_25 : i32
    %lt3A_27 = arith.constant 0 : i32
    %lt3A_28 = arith.cmpi slt, %rem3A_24, %lt3A_27 : i32
    %lt3A_29 = arith.constant 0 : i32
    %lt3A_30 = arith.cmpi slt, %select_n3A_23, %lt3A_29 : i32
    %ne3A_31 = arith.xori %lt3A_28, %lt3A_30 : i1
    %and3A_32 = arith.andi %ne3A_31, %ne3A_26 : i1
    %add3A_33 = arith.addi %rem3A_24, %select_n3A_23 : i32
    %select_n3A_34 = arith.select %and3A_32, %add3A_33, %rem3A_24 : i32
    %eq3A_35 = arith.constant 1 : i32
    %eq3A_36 = arith.cmpi eq, %select_n3A_34, %eq3A_35 : i32
    %convert_element_type3A_37 = arith.extui %eq3A_36 : i1 to i32
    %cond3A_38 = arith.constant 0 : i32
    %cond3A_39 = arith.cmpi ne, %convert_element_type3A_37, %cond3A_38 : i32
    scf.if %cond3A_39 {
      %ge3A = arith.constant 2 : i32
      %ge3A_40 = arith.cmpi sge, %arg0, %ge3A : i32
      %convert_element_type3A_41 = arith.extui %ge3A_40 : i1 to i32
      %cond3A_42 = arith.constant 0 : i32
      %cond3A_43 = arith.cmpi ne, %convert_element_type3A_41, %cond3A_42 : i32
      scf.if %cond3A_43 {
        %dma_wait3A = arith.constant 0 : i32
        %dma_wait3A_78 = arith.constant 0 : i32
        %dma_wait3A_79 = arith.constant 0 : i32
        %dma_wait3A_80 = tpu.memref_slice %arg3[%dma_wait3A, %dma_wait3A_78, %dma_wait3A_79] : memref<16384x100x128xf32, #tpu.memory_space<hbm>> -> memref<128x100x128xf32, #tpu.memory_space<hbm>>
        tpu.wait_dma2 semaphore(%arg7 : memref<!tpu.dma_semaphore, #tpu.memory_space<semaphore_mem>>) src(%arg5 : memref<128x100x128xf32, #tpu.memory_space<vmem>>) dst(%dma_wait3A_80 : memref<128x100x128xf32, #tpu.memory_space<hbm>>)
      } else {
      }
      %iota3A = tpu.iota {dimensions = array<i32: 2>} : vector<128x100x128xi32>
      %get3A_44 = arith.constant 0 : index
      %get3A_45 = arith.constant 0 : index
      %get3A_46 = vector.load %arg1[%get3A_44, %get3A_45] : memref<128x100xi32, #tpu.memory_space<vmem>>, vector<128x100xi32>
      %broadcast_in_dim3A = vector.shape_cast %get3A_46 : vector<128x100xi32> to vector<128x100x1xi32>
      %lt3A_47 = arith.constant 64 : i32
      %lt3A_48 = vector.broadcast %lt3A_47 : i32 to vector<128x100x128xi32>
      %lt3A_49 = arith.cmpi slt, %iota3A, %lt3A_48 : vector<128x100x128xi32>
      %shift_right_arithmetic3A = arith.constant 1 : i32
      %shift_right_arithmetic3A_50 = vector.broadcast %shift_right_arithmetic3A : i32 to vector<128x100x1xi32>
      %shift_right_arithmetic3A_51 = arith.shrsi %broadcast_in_dim3A, %shift_right_arithmetic3A_50 : vector<128x100x1xi32>
      %and3A_52 = arith.constant 1 : i32
      %and3A_53 = vector.broadcast %and3A_52 : i32 to vector<128x100x1xi32>
      %and3A_54 = arith.andi %broadcast_in_dim3A, %and3A_53 : vector<128x100x1xi32>
      %broadcast_in_dim3A_55 = vector.shape_cast %shift_right_arithmetic3A_51 : vector<128x100x1xi32> to vector<128x100x1xi32>
      %broadcast_in_dim3A_56 = vector.broadcast %broadcast_in_dim3A_55 : vector<128x100x1xi32> to vector<128x100x128xi32>
      %broadcast_in_dim3A_57 = vector.shape_cast %and3A_54 : vector<128x100x1xi32> to vector<128x100x1xi32>
      %broadcast_in_dim3A_58 = vector.broadcast %broadcast_in_dim3A_57 : vector<128x100x1xi32> to vector<128x100x128xi32>
      %select_n3A_59 = arith.select %lt3A_49, %broadcast_in_dim3A_56, %broadcast_in_dim3A_58 : vector<128x100x128xi1>, vector<128x100x128xi32>
      %convert_element_type3A_60 = arith.sitofp %select_n3A_59 : vector<128x100x128xi32> to vector<128x100x128xf32>
      %broadcast_in_dim3A_61 = vector.shape_cast %concatenate3A_7 : vector<128xf32> to vector<1x1x128xf32>
      %mul3A = vector.broadcast %broadcast_in_dim3A_61 : vector<1x1x128xf32> to vector<128x100x128xf32>
      %mul3A_62 = arith.mulf %convert_element_type3A_60, %mul3A : vector<128x100x128xf32>
      %broadcast_in_dim3A_63 = vector.shape_cast %concatenate3A : vector<128xf32> to vector<1x1x128xf32>
      %add3A_64 = vector.broadcast %broadcast_in_dim3A_63 : vector<1x1x128xf32> to vector<128x100x128xf32>
      %add3A_65 = arith.addf %mul3A_62, %add3A_64 : vector<128x100x128xf32>
      %swap3A = arith.constant 0 : index
      %swap3A_66 = arith.constant 0 : index
      %swap3A_67 = arith.constant 0 : index
      %swap3A_68 = vector.load %arg5[%swap3A, %swap3A_66, %swap3A_67] : memref<128x100x128xf32, #tpu.memory_space<vmem>>, vector<128x100x128xf32>
      tpu.vector_store %arg5[%swap3A, %swap3A_66, %swap3A_67], %add3A_65 {strides = array<i32>} : memref<128x100x128xf32, #tpu.memory_space<vmem>>, vector<128x100x128xf32>,
      %mul3A_69 = arith.constant 128 : i32
      %mul3A_70 = arith.muli %arg0, %mul3A_69 : i32
      %dma_start3A = arith.constant 0 : i32
      %dma_start3A_71 = arith.constant 0 : i32
      %dma_start3A_72 = tpu.memref_slice %arg3[%mul3A_70, %dma_start3A, %dma_start3A_71] : memref<16384x100x128xf32, #tpu.memory_space<hbm>> -> memref<128x100x128xf32, #tpu.memory_space<hbm>>
      tpu.enqueue_dma source(%arg5 : memref<128x100x128xf32, #tpu.memory_space<vmem>>) target(%dma_start3A_72 : memref<128x100x128xf32, #tpu.memory_space<hbm>>) target_semaphore(%arg7 : memref<!tpu.dma_semaphore, #tpu.memory_space<semaphore_mem>>)
      %eq3A_73 = arith.constant 127 : i32
      %eq3A_74 = arith.cmpi eq, %arg0, %eq3A_73 : i32
      %convert_element_type3A_75 = arith.extui %eq3A_74 : i1 to i32
      %cond3A_76 = arith.constant 0 : i32
      %cond3A_77 = arith.cmpi ne, %convert_element_type3A_75, %cond3A_76 : i32
      scf.if %cond3A_77 {
        %dma_wait3A = arith.constant 0 : i32
        %dma_wait3A_78 = arith.constant 0 : i32
        %dma_wait3A_79 = arith.constant 0 : i32
        %dma_wait3A_80 = tpu.memref_slice %arg3[%dma_wait3A, %dma_wait3A_78, %dma_wait3A_79] : memref<16384x100x128xf32, #tpu.memory_space<hbm>> -> memref<128x100x128xf32, #tpu.memory_space<hbm>>
        tpu.wait_dma2 semaphore(%arg6 : memref<!tpu.dma_semaphore, #tpu.memory_space<semaphore_mem>>) src(%arg4 : memref<128x100x128xf32, #tpu.memory_space<vmem>>) dst(%dma_wait3A_80 : memref<128x100x128xf32, #tpu.memory_space<hbm>>)
        %dma_wait3A_81 = arith.constant 0 : i32
        %dma_wait3A_82 = arith.constant 0 : i32
        %dma_wait3A_83 = arith.constant 0 : i32
        %dma_wait3A_84 = tpu.memref_slice %arg3[%dma_wait3A_81, %dma_wait3A_82, %dma_wait3A_83] : memref<16384x100x128xf32, #tpu.memory_space<hbm>> -> memref<128x100x128xf32, #tpu.memory_space<hbm>>
        tpu.wait_dma2 semaphore(%arg7 : memref<!tpu.dma_semaphore, #tpu.memory_space<semaphore_mem>>) src(%arg5 : memref<128x100x128xf32, #tpu.memory_space<vmem>>) dst(%dma_wait3A_84 : memref<128x100x128xf32, #tpu.memory_space<hbm>>)
      } else {
      }
    } else {
    }
    return
  }
  func.func @transform_0(%arg0: i32) -> (i32, i32) {
    %c0_i32 = arith.constant 0 : i32
    %c0_i32_0 = arith.constant 0 : i32
    return %arg0, %c0_i32 : i32, i32
  }
  func.func @transform_1(%arg0: i32) -> (i32, i32) {
    %c0_i32 = arith.constant 0 : i32
    %c0_i32_0 = arith.constant 0 : i32
    %c0_i32_1 = arith.constant 0 : i32
    return %c0_i32, %c0_i32_0 : i32, i32
  }
}

</mosaic_0001>

<sc_bundles>
// kernel: kernel.4.cloned.1.call-start
scs
__scs_entry_jumppad:
0x0: {  	(pc) =	sbr.rel $0x88, $3  }
0x1: {  	(tag) =	ssettag $0x0;
	lr =	simm.s32 $0x1  }
0x2: {  	[smem:$0x3F9F] =	sst lr;
	_ =	strace $0xD0000000  }
0x3: {  	_ = 	snop  }
0x4: {  	_ = 	snop  }
0x5: {  	_ = 	snop  }
0x6: {  	_ = 	snop  }
0x7: {  	_ = 	snop  }
__scs_overlays_trampoline_lowered:
0x8: {  	[smem:$0x3FAE] =	sst s0  }
0x9: {  	[smem:$0x3FAF] =	sst s1  }
0xa: {  	[smem:$0x3FB0] =	sst s2  }
0xb: {  	[smem:$0x3FB1] =	sst s3  }
0xc: {  	[smem:$0x3FB2] =	sst s4  }
0xd: {  	[smem:$0x3FB3] =	sst s5  }
0xe: {  	[smem:$0x3FB4] =	sst s6  }
0xf: {  	[smem:$0x3FB5] =	sst s7  }
0x10: {  	[smem:$0x3FB6] =	sst s8  }
0x11: {  	[smem:$0x3FB7] =	sst s9;
	s0 =	simm.s32 @!p0 $0x0  }
0x12: {  	s1 =	sld [smem:$0x3F9D];
	s0 =	simm.s32 @p0 $0x1  }
0x13: {  	[smem:$0x3FB8] =	sst s0;
	s0 =	simm.s32 @!p1 $0x0  }
0x14: {  	s2 =	sld [smem:$0x3F9C];
	s0 =	simm.s32 @p1 $0x1  }
0x15: {  	[smem:$0x3FB9] =	sst s0;
	s0 =	simm.s32 @!p2 $0x0  }
0x16: {  	s3 =	sld [smem:$0x3FDB];
	s0 =	simm.s32 @p2 $0x1  }
0x17: {  	s4 =	simm.s32 $0x1BF5;
	[smem:$0x3FBB] =	sst s0  }
0x18: {  	s0 =	sld [smem:$0x3F9E];
	_ =	swait.ge [sflag:s4], $0x0  }
0x19: {  	s7 =	sld [smem:$0x3F9F]  }
0x1a: {  	s8 =	sadd.s32 $0xFFFFE003, lr  }
0x1b: {  	s9 =	sadd.s32 $0xFFFFFEF7, lr;
	s5 =	simm.s32 $0xFFFFFFFF;
	p2 =	slt.u32 s8, $0xFFFFF086  }
0x1c: {  	p1 =	slt.u32 s9, $0xF7A;
	s5 =	simm.s32 @!p2 $0x0  }
0x1d: {  	s5 =	simm.s32 @p1 $0x1;
	p0 =	seq.s32 s7, s2  }
0x1e: {  	s7 =	smul.u32 @!p0 $0xF7A, s2;
	p2 =	seq.s32 @!p0 s5, $0x0  }
0x1f: {  	s9 =	smul.u32 $0xF7A, s1;
	s8 =	simm.s32 @!p0 $0x1BF5;
	p2 =	por !p2, p0  }
0x20: {  	[sflag:s8] =	ssyncset.s32 @!p0 $0xFFFFF086;
	s6 =	sadd.s32 @!p0 s3, s7;
	s7 =	simm.s32 @!p0 $0x108  }
0x21: {  	s3 =	sadd.s32 s3, s9;
	s6 =	sadd.s32 @!p0 $0x88, s6;
	s7 =	simm.s32 @p2 $0x1082  }
0x22: {  	[simem:s7], [sflag:s8] =	dma.local @!p0 [hbm:s6], $0xF7A  }
0x23: {  	s9 =	sor.u32 $0xD0000000, s2;
	s6 =	simm.s32 $0x108;
	_ =	swait.ge @!p0 [sflag:s8], $0x0  }
0x24: {  	s3 =	sadd.s32 $0x88, s3;
	s6 =	simm.s32 @!p1 $0x1082;
	[sflag:s4] =	ssyncset.s32 $0xFFFFF086  }
0x25: {  	[simem:s6], [sflag:s4] =	dma.local [hbm:s3], $0xF7A  }
0x26: {  	[smem:$0x3F9F] =	sst s1;
	(tag) =	ssettag s2;
	_ =	strace s9  }
0x27: {  	s1 =	sld [smem:$0x3FAF]  }
0x28: {  	s2 =	sld [smem:$0x3FB0]  }
0x29: {  	s4 =	sld [smem:$0x3FB2]  }
0x2a: {  	p0 =	seq.s32 s5, $0x0;
	s5 =	sld [smem:$0x3FB3]  }
0x2b: {  	s6 =	sld [smem:$0x3FB4]  }
0x2c: {  	s7 =	sld [smem:$0x3FB5]  }
0x2d: {  	s3 =	simm.s32 $0x108;
	s8 =	sld [smem:$0x3FB6]  }
0x2e: {  	s3 =	simm.s32 @!p0 $0x1082;
	s9 =	sld [smem:$0x3FB7]  }
0x2f: {  	lr =	sadd.s32 s0, s3;
	s0 =	sld [smem:$0x3FAE]  }
0x30: {  	s3 =	sld [smem:$0x3FB1]  }
0x31: {  	[smem:$0x3FBA] =	sst s10  }
0x32: {  	s10 =	sld [smem:$0x3FB8];
	_ =	sdelay $0x3  }
0x33: {  	p0 =	seq.s32 s10, $0x1;
	s10 =	sld [smem:$0x3FBA];
	_ =	sdelay $0x3  }
0x34: {  	[smem:$0x3FBA] =	sst s10  }
0x35: {  	s10 =	sld [smem:$0x3FB9];
	_ =	sdelay $0x3  }
0x36: {  	p1 =	seq.s32 s10, $0x1;
	s10 =	sld [smem:$0x3FBA];
	_ =	sdelay $0x3  }
0x37: {  	[smem:$0x3FBA] =	sst s10  }
0x38: {  	s10 =	sld [smem:$0x3FBB]  }
0x39: {  	_ = 	snop;
	(pc) =	sbr.ind lr, $3  }
0x3a: {  	_ = 	snop  }
0x3b: {  	_ = 	snop  }
0x3c: {  	p2 =	seq.s32 s10, $0x1;
	s10 =	sld [smem:$0x3FBA]  }
0x3d: {  	_ =	shalt  }
0x3e: {  	_ =	shalt  }
0x3f: {  	_ =	shalt  }
0x40: {  	_ =	shalt  }
0x41: {  	_ =	shalt  }
0x42: {  	_ =	shalt  }
0x43: {  	_ =	shalt  }
0x44: {  	_ =	shalt  }
0x45: {  	_ =	shalt  }
0x46: {  	_ =	shalt  }
0x47: {  	_ =	shalt  }
0x48: {  	_ =	shalt  }
0x49: {  	_ =	shalt  }
0x4a: {  	_ =	shalt  }
0x4b: {  	_ =	shalt  }
0x4c: {  	_ =	shalt  }
0x4d: {  	_ =	shalt  }
0x4e: {  	_ =	shalt  }
0x4f: {  	_ =	shalt  }
0x50: {  	_ =	shalt  }
0x51: {  	_ =	shalt  }
0x52: {  	_ =	shalt  }
0x53: {  	_ =	shalt  }
0x54: {  	_ =	shalt  }
0x55: {  	_ =	shalt  }
0x56: {  	_ =	shalt  }
0x57: {  	_ =	shalt  }
0x58: {  	_ =	shalt  }
0x59: {  	_ =	shalt  }
0x5a: {  	_ =	shalt  }
0x5b: {  	_ =	shalt  }
0x5c: {  	_ =	shalt  }
0x5d: {  	_ =	shalt  }
0x5e: {  	_ =	shalt  }
0x5f: {  	_ =	shalt  }
0x60: {  	_ =	shalt  }
0x61: {  	_ =	shalt  }
0x62: {  	_ =	shalt  }
0x63: {  	_ =	shalt  }
0x64: {  	_ =	shalt  }
0x65: {  	_ =	shalt  }
0x66: {  	_ =	shalt  }
0x67: {  	_ =	shalt  }
0x68: {  	_ =	shalt  }
0x69: {  	_ =	shalt  }
0x6a: {  	_ =	shalt  }
0x6b: {  	_ =	shalt  }
0x6c: {  	_ =	shalt  }
0x6d: {  	_ =	shalt  }
0x6e: {  	_ =	shalt  }
0x6f: {  	_ =	shalt  }
0x70: {  	_ =	shalt  }
0x71: {  	_ =	shalt  }
0x72: {  	_ =	shalt  }
0x73: {  	_ =	shalt  }
0x74: {  	_ =	shalt  }
0x75: {  	_ =	shalt  }
0x76: {  	_ =	shalt  }
0x77: {  	_ =	shalt  }
0x78: {  	_ =	shalt  }
0x79: {  	_ =	shalt  }
0x7a: {  	_ =	shalt  }
0x7b: {  	_ =	shalt  }
0x7c: {  	_ =	shalt  }
0x7d: {  	_ =	shalt  }
0x7e: {  	_ =	shalt  }
0x7f: {  	_ =	shalt  }
0x80: {  	_ =	shalt  }
0x81: {  	_ =	shalt  }
0x82: {  	_ =	shalt  }
0x83: {  	_ =	shalt  }
0x84: {  	_ =	shalt  }
0x85: {  	_ =	shalt  }
0x86: {  	_ =	shalt  }
0x87: {  	_ =	shalt  }
.Lfunc_end0:
.L_simem_size_0:
called_computation_lowered:
.L_overlay_start_0:
0x88: {  	s2 =	sld [smem:$0x3FD9]  }
0x89: {  	s3 =	sld [smem:$0x3FFE];
	_ =	sdelay $0x1  }
0x8a: {  	s1 =	srdreg.scid  }
0x8b: {  	s0 =	sand.u32 $0x1, s1  }
0x8c: {  	s17 =	sshll.u32 s0, $0xA;
	s2 =	sadd.s32 s3, s2  }
0x8d: {  	s2 =	sadd.s32 s2, s17  }
0x8e: {  	[smem:$0x3FC6] =	sst s2  }
0x8f: {  	_ = 	snop  }
0x90: {  	s2 =	sld [smem:$0x3FD0];
	(tm) =	ssettm $0x1  }
0x91: {  	s18 =	sld [smem:$0x3FFB];
	_ =	sdelay $0x3  }
0x92: {  	_ =	strace s18  }
0x93: {  	s3 =	sld [smem:$0x3FFC];
	_ =	sdelay $0x3  }
0x94: {  	_ =	strace s3  }
0x95: {  	s3 =	sld [smem:$0x3FFD];
	_ =	sdelay $0x3  }
0x96: {  	_ =	strace s3  }
0x97: {  	_ =	strace $0x8FFFFFFF  }
0x98: {  	s19 =	sld [smem:$0x3FDB];
	_ =	sdelay $0x1  }
0x99: {  	s4 =	simm.s32 $_scs_section_size  }
0x9a: {  	s5 =	simm.s32 $_size__tile_overlayer_lowered;
	s6 =	simm.s32 $_tile_overlayer_lowered  }
0x9b: {  	s22 =	simm.s32 $0x1BFF;
	s21 =	sshll.u32 s6, $0x1;
	s3 =	sadd.s32 s4, s19  }
0x9c: {  	s7 =	simm.s32 $0x0;
	s20 =	sshll.u32 s5, $0x1;
	s5 =	sadd.s32 s21, s3  }
0x9d: {  	[timem:s7], [sflag:s22] =	dma.local [hbm:s5], s20  }
0x9e: {  	_ =	swait.ge [sflag:s22], s20  }
0x9f: {  	s4 =	ssub.s32 $0x0, s20;
	[sflag:s22] =	ssyncset.done $0x0  }
0xa0: {  	[sflag:s22] =	ssyncadd.s32 s4;
	_ =	sdelay $0x1  }
0xa1: {  	s23 =	simm.s32 $0x1B8B  }
0xa2: {  	_ =	swait.ge [sflag:s23], $0x1  }
0xa3: {  	[sflag:s23] =	ssyncset.done $0x0  }
0xa4: {  	s25 =	simm.s32 $0x1B8E;
	s24 =	sld [smem:$0x3FFE];
	[sflag:s23] =	ssyncadd.s32 $0xFFFFFFFF  }
0xa5: {  	s26 =	simm.s32 $execute0_lowered;
	[smem:$0x3FD2] =	sst s25  }
0xa6: {  	s5 =	sshll.u32 s26, $0x1;
	_ =	strace $0x80000046;
	[dreg:$0x1] =	wrdreg $0xFFFFFFFF  }
0xa7: {  	s28 =	simm.s32 $_size_execute0_lowered;
	s3 =	sadd.s32 s3, s5;
	[dreg:$0x0] =	wrdreg $0x0  }
0xa8: {  	s5 =	sshll.u32 s28, $0x1;
	[dreg:$0x2] =	wrdreg s3  }
0xa9: {  	[dreg:$0x3] =	wrdreg s5  }
0xaa: {  	[dreg:$0x4] =	wrdreg $0xC0  }
0xab: {  	_ =	task [dreg:s7], $0x5FFFF  }
0xac: {  	[dreg:$0x1] =	wrdreg $0xFFFFFFFF  }
0xad: {  	[dreg:$0x0] =	wrdreg $0x60  }
0xae: {  	[dreg:$0x2] =	wrdreg s2  }
0xaf: {  	[dreg:$0x3] =	wrdreg s24  }
0xb0: {  	[dreg:$0x4] =	wrdreg $0x9  }
0xb1: {  	_ =	task.clear_ibuf [dreg:s7], $0x5FFFF;
	_ =	strace $0x90000046  }
0xb2: {  	s29 =	simm.s32 $0x9;
	_ =	strace $0x80000048  }
0xb3: {  	_ =	swait.ge [sflag:s29], $0x1  }
0xb4: {  	[sflag:s29] =	ssyncadd.s32 $0xFFFFFFFF  }
0xb5: {  	_ =	strace $0x90000048  }
0xb6: {  	_ =	sfence  }
0xb7: {  	s30 =	sld [smem:$0x0];
	_ =	sdelay $0x2  }
0xb8: {  	s31 =	sshll.u32 s1, $0xD;
	s1 =	sshrl.u32 s1, $0x2  }
0xb9: {  	s3 =	sand.u32 $0x4000, s31;
	s1 =	sadd.s32 s1, s30  }
0xba: {  	s0 =	sor.u32 s3, s0;
	s1 =	sshll.u32 s1, $0x11  }
0xbb: {  	s0 =	sor.u32 s1, s0  }
0xbc: {  	s0 =	sadd.s32 $0x8F2B, s0  }
0xbd: {  	[sflag:s0] =	ssyncadd.remote.s32 $0x1  }
0xbe: {  	_ =	sfence.sel $0xFFFF  }
0xbf: {  	[dreg:$0x0] =	wrdreg $0xFFFFFFFF;
	(pc) =	sbr.abs _section_cstart, $3  }
0xc0: {  	[dreg:$0x1] =	wrdreg $0xFFFFFFFF  }
0xc1: {  	_ =	task.clear_ibuf [dreg:s7], $0x2FFFF;
	_ =	strace $0x9FFFFFFF  }
0xc2: {  	(tm) =	ssettm $0x7FFFFFFF  }
0xc3: {  	_ =	shalt  }
tec
execute0_lowered:
.L_overlay_start_1:
0x0: {  	(tag) =	ssettag $0x1  }
0x1: {  	s2 =	rddreg [dreg:$0x0]  }
0x2: {  	s1 =	srdreg.scid;
	s0 =	stileid.u32  }
0x3: {  	s5 =	rddreg [dreg:$0x1];
	s3 =	simm.s32 $0x0;
	s12 =	simm.s32 $0x1900  }
0x4: {  	s13 =	simm.s32 $0x1;
	s14 =	simm.s32 $0x3200;
	s15 =	simm.s32 $0x2  }
0x5: {  	s16 =	simm.s32 $0x4;
	s6 =	sand.u32 $0x1, s1;
	s4 =	sshll.u32 s0, $0x1  }
0x6: {  	s17 =	simm.s32 $0x3E80;
	s18 =	simm.s32 $0x3;
	s4 =	sor.u32 s6, s4  }
0x7: {  	s19 =	simm.s32 $0x0;
	s1 =	rddreg [dreg:$0x2];
	s4 =	smul.u32 $0x19000, s4  }
.Ltmp0:
0x8: {  	v0 =	vlaneseq.u32;
	[smem:$0x7FF] =	sst s3;
	s7 =	ssub.s32 $0x2, s6;
	(pc) =	sbr.rel .LBB2_1-.Ltmp0, $4  }
0x9: {  	s5 =	sadd.s32 $0x600, s5;
	v1 =	vand.u32 $0x7, v0;
	_ =	strace $0x80000047;
	s8 =	sshrl.u32 s7, $0x1  }
0xa: {  	v1 =	vmul.u32 $0x2, v1;
	s11 =	ssub.s32 s7, s8;
	s9 =	sshrl.u32 s4, $0x3;
	s6 =	sadd.s32 $0x1900, s4  }
0xb: {  	s10 =	sadd.s32 $0x4B00, s4;
	s11 =	smax.u32 s11, $0x1;
	s31 =	sshrl.u32 s6, $0x3  }
0xc: {  	v2 =	vimm.s32 $0xF;
	vm0 =	vmmov $0xff;
	v3 =	vor.u32 $0x1, v1;
	s7 =	sadd.s32 s2, s9;
	s9 =	sadd.s32 $0x3200, s4;
	s8 =	sadd.s32 s2, s31  }
.LBB2_12:
0xd: {  	s19 =	sadd.s32 $0x1, s19  }
0xe: {  	_ =	swait.ge [sflag:s18], $0xC80;
	p0 =	sne.s32 s19, s11  }
.Ltmp1:
0xf: {  	[sflag:s18] =	ssyncset.done $0x0;
	(pc) =	sbr.rel @!p0 .LBB2_13-.Ltmp1, $4  }
0x10: {  	[sflag:s18] =	ssyncadd.s32 $0xFFFFF380  }
0x11: {  	_ =	swait.ge [sflag:s16], $0xC80  }
0x12: {  	[sflag:s16] =	ssyncset.done $0x0  }
0x13: {  	[sflag:s16] =	ssyncadd.s32 $0xFFFFF380  }
.LBB2_1:
0x14: {  	[tilespmem:s3], [sflag:$0x1] =	stream.linear.gather [hbm4b:s7+s3], $0x1900, $0x38;
	[tilespmem:$0x4B00] =	vst v63  }
0x15: {  	s20 =	simm.s32 $0x0  }
0x16: {  	[tilespmem:s12], [sflag:$0x2] =	stream.linear.gather [hbm4b:s8+s3], $0x1900, $0x38;
	[tilespmem:$0x4B00] =	vst v63  }
.LBB2_2:
0x17: {  	_ =	swait.ge [sflag:s13], $0x1900;
	s21 =	simm.s32 $0x1  }
0x18: {  	p0 =	seq.s32 s20, $0x0;
	[sflag:s13] =	ssyncset.done $0x0;
	s21 =	smul.u32 $0x47AF, s21  }
0x19: {  	s22 =	simm.s32 @!p0 $0x3;
	[sflag:s13] =	ssyncadd.s32 $0xFFFFE700  }
0x1a: {  	_ =	swait.ge @!p0 [sflag:s22], $0xC80;
	s23 =	sadd.s32 $0xFFFFB851, s21  }
0x1b: {  	[sflag:s22] =	ssyncset.done @!p0 $0x0;
	s23 =	sshrl.u32 s23, $0x10  }
0x1c: {  	s31 =	simm.s32 $0x10;
	[sflag:s22] =	ssyncadd.s32 @!p0 $0xFFFFF380;
	s24 =	ssub.s32 $0x0, s23  }
0x1d: {  	v4 =	vld [tilespmem:s31+$0xFFFFFFF0];
	s24 =	sand.u32 $0xFFFE, s24  }
0x1e: {  	s24 =	sshrl.u32 s24, $0x1  }
0x1f: {  	s23 =	sadd.s32 s23, s24  }
0x20: {  	s23 =	sand.u32 $0xFFF0, s23  }
0x21: {  	s23 =	sshrl.u32 s23, $0x4  }
0x22: {  	s23 =	smul.u32 $0x19, s23;
	(xrf0) =	vadd.scan.msk.s32 $0xffff, v4  }
0x23: {  	s21 =	sshrl.u32 s21, $0x10  }
0x24: {  	s25 =	ssub.s32 $0x1, s21;
	s23 =	ssub.s32 $0x0, s23  }
0x25: {  	s26 =	sand.u32 $0xFFFE, s25;
	v5 =	vld [tilespmem:s31+$0x0];
	s23 =	sand.u32 $0xFFFF, s23  }
0x26: {  	s22 =	sshrl.u32 s26, $0x1;
	s24 =	simm.s32 $0x8;
	p1 =	seq.s32 s23, $0xC  }
0x27: {  	s21 =	sadd.s32 s21, s22;
	p2 =	seq.s32 s23, $0x0;
	s24 =	simm.s32 @!p1 $0x10  }
0x28: {  	v6 =	vimm.s32 $0x0;
	s21 =	sand.u32 $0xFFF0, s21;
	s24 =	simm.s32 @p2 $0x0;
	v7, _, _ =	vpop (xrf0)  }
0x29: {  	s21 =	sshrl.u32 s21, $0x4;
	v6 =	vadd.s32 v6, v7;
	s28 =	smin.u32 s24, $0xF  }
0x2a: {  	s21 =	smul.u32 $0x19, s21;
	(xrf0) =	vadd.scan.msk.s32 $0xffff, v5;
	v4 =	vsub.s32 v6, v4;
	v7 =	vmov s28  }
0x2b: {  	v4 =	vperm.xlane v4, v7;
	v7 =	vmov s24  }
0x2c: {  	s21 =	ssub.s32 $0x1, s21;
	vm1 =	vgt.u32 v7, v0  }
0x2d: {  	s21 =	sand.u32 $0xFFFF, s21;
	v4 =	vsel vm1, $0x0, v4  }
0x2e: {  	s22 =	simm.s32 $0x8;
	p1 =	seq.s32 s21, $0xC;
	v4 =	vsub.s32 v6, v4  }
0x2f: {  	p2 =	seq.s32 s21, $0x0;
	s22 =	simm.s32 @!p1 $0x10;
	v6 =	vperm.xlane v4, v2  }
0x30: {  	s22 =	simm.s32 @p2 $0x0;
	v7, _, _ =	vpop (xrf0)  }
0x31: {  	s29 =	smin.u32 s22, $0xF;
	v6 =	vadd.s32 v6, v7  }
0x32: {  	v7 =	vmov s29;
	v5 =	vsub.s32 v6, v5  }
0x33: {  	v5 =	vperm.xlane v5, v7;
	v7 =	vmov s22  }
0x34: {  	vm1 =	vgt.u32 v7, v0  }
0x35: {  	v5 =	vsel vm1, $0x0, v5  }
0x36: {  	v5 =	vsub.s32 v6, v5  }
0x37: {  	v4 =	vand.u32 $0x1, v4;
	v6 =	vand.u32 $0x1, v5  }
0x38: {  	s30 =	simm.s32 $0x3;
	v7 =	vperm.xlane v4, v1;
	v8 =	vperm.xlane v6, v1  }
0x39: {  	s31 =	smul.u32 $0x47AF, s30;
	v4 =	vperm.xlane v4, v3;
	v6 =	vperm.xlane v6, v3  }
0x3a: {  	v7 =	vsel vm0, v7, v8  }
0x3b: {  	s26 =	sadd.s32 $0xFFFFB851, s31;
	v4 =	vsel vm0, v4, v6;
	v6 =	vshll.u32 v7, $0x1  }
0x3c: {  	s21 =	simm.s32 $0x3200;
	s28 =	sshrl.u32 s26, $0x10;
	v4 =	vadd.s32 v6, v4  }
0x3d: {  	s25 =	ssub.s32 $0x2, s28;
	s22 =	simm.s32 $0x30;
	[tilespmem:s21+$0x0] =	vst v4  }
0x3e: {  	s25 =	sand.u32 $0xFFFE, s25;
	v4 =	vld [tilespmem:s22+$0xFFFFFFF0]  }
0x3f: {  	s25 =	sshrl.u32 s25, $0x1  }
0x40: {  	s24 =	sadd.s32 s28, s25  }
0x41: {  	s24 =	sand.u32 $0xFFF0, s24  }
0x42: {  	s24 =	sshrl.u32 s24, $0x4  }
0x43: {  	s24 =	smul.u32 $0x19, s24;
	(xrf0) =	vadd.scan.msk.s32 $0xffff, v4  }
0x44: {  	s23 =	sshrl.u32 s31, $0x10  }
0x45: {  	s29 =	ssub.s32 $0x3, s23;
	s24 =	ssub.s32 $0x2, s24  }
0x46: {  	s25 =	sand.u32 $0xFFFE, s29;
	s24 =	sand.u32 $0xFFFF, s24;
	v6 =	vld [tilespmem:s22+$0x0]  }
0x47: {  	s26 =	simm.s32 $0x8;
	s25 =	sshrl.u32 s25, $0x1;
	p1 =	seq.s32 s24, $0xC  }
0x48: {  	s23 =	sadd.s32 s23, s25;
	p2 =	seq.s32 s24, $0x0;
	s26 =	simm.s32 @!p1 $0x10;
	v5 =	vperm.xlane v5, v2  }
0x49: {  	s23 =	sand.u32 $0xFFF0, s23;
	s26 =	simm.s32 @p2 $0x0;
	v7, _, _ =	vpop (xrf0)  }
0x4a: {  	s23 =	sshrl.u32 s23, $0x4;
	s30 =	smin.u32 s26, $0xF;
	v5 =	vadd.s32 v5, v7  }
0x4b: {  	s23 =	smul.u32 $0x19, s23;
	(xrf0) =	vadd.scan.msk.s32 $0xffff, v6;
	v7 =	vmov s30;
	v4 =	vsub.s32 v5, v4  }
0x4c: {  	v4 =	vperm.xlane v4, v7;
	v7 =	vmov s26  }
0x4d: {  	s23 =	ssub.s32 $0x3, s23;
	vm1 =	vgt.u32 v7, v0  }
0x4e: {  	s23 =	sand.u32 $0xFFFF, s23;
	v4 =	vsel vm1, $0x0, v4  }
0x4f: {  	s24 =	simm.s32 $0x8;
	p1 =	seq.s32 s23, $0xC;
	v4 =	vsub.s32 v5, v4  }
0x50: {  	p2 =	seq.s32 s23, $0x0;
	s24 =	simm.s32 @!p1 $0x10;
	v5 =	vperm.xlane v4, v2  }
0x51: {  	s24 =	simm.s32 @p2 $0x0;
	v7, _, _ =	vpop (xrf0)  }
0x52: {  	s31 =	smin.u32 s24, $0xF;
	v5 =	vadd.s32 v5, v7  }
0x53: {  	v7 =	vmov s31;
	v6 =	vsub.s32 v5, v6  }
0x54: {  	v6 =	vperm.xlane v6, v7;
	v7 =	vmov s24  }
0x55: {  	vm1 =	vgt.u32 v7, v0  }
0x56: {  	v6 =	vsel vm1, $0x0, v6  }
0x57: {  	v5 =	vsub.s32 v5, v6  }
0x58: {  	v7 =	vand.u32 $0x1, v4;
	v4 =	vperm.xlane v5, v2  }
0x59: {  	s23 =	simm.s32 $0x5;
	v8 =	vand.u32 $0x1, v5;
	v5 =	vperm.xlane v7, v1;
	v7 =	vperm.xlane v7, v3  }
0x5a: {  	s25 =	smul.u32 $0x47AF, s23;
	s24 =	simm.s32 $0x7;
	v6 =	vperm.xlane v8, v1;
	v8 =	vperm.xlane v8, v3  }
.LBB2_3:
0x5b: {  	_ = 	snop  }
0x5c: {  	p1 =	sne.s32 s24, $0x18F;
	v5 =	vsel vm0, v5, v6;
	s26 =	sadd.s32 $0xFFFFB851, s25  }
0x5d: {  	s28 =	sadd.s32 $0xFFFFFFFF, s23;
	v6 =	vsel vm0, v7, v8;
	v5 =	vshll.u32 v5, $0x1;
	s26 =	sshrl.u32 s26, $0x10  }
0x5e: {  	s21 =	sadd.s32 $0x10, s21;
	v5 =	vadd.s32 v5, v6;
	s29 =	ssub.s32 s28, s26  }
0x5f: {  	s22 =	sadd.s32 $0x20, s22;
	[tilespmem:s21+$0x0] =	vst v5;
	s29 =	sand.u32 $0xFFFE, s29  }
0x60: {  	v5 =	vld [tilespmem:s22+$0xFFFFFFF0];
	s29 =	sshrl.u32 s29, $0x1  }
0x61: {  	s26 =	sadd.s32 s26, s29  }
0x62: {  	s26 =	sand.u32 $0xFFF0, s26  }
0x63: {  	s26 =	sshrl.u32 s26, $0x4  }
0x64: {  	s26 =	smul.u32 $0x19, s26  }
0x65: {  	(xrf0) =	vadd.scan.msk.s32 $0xffff, v5  }
0x66: {  	s25 =	sshrl.u32 s25, $0x10;
	s26 =	ssub.s32 s28, s26  }
0x67: {  	s28 =	ssub.s32 s23, s25;
	s26 =	sand.u32 $0xFFFF, s26  }
0x68: {  	v6 =	vld [tilespmem:s22+$0x0];
	s28 =	sand.u32 $0xFFFE, s28;
	p2 =	seq.s32 s26, $0xC  }
0x69: {  	s28 =	sshrl.u32 s28, $0x1;
	p3 =	seq.s32 s26, $0x0;
	s26 =	simm.s32 $0x8  }
0x6a: {  	s26 =	simm.s32 @!p2 $0x10;
	s25 =	sadd.s32 s25, s28  }
0x6b: {  	s26 =	simm.s32 @p3 $0x0;
	s25 =	sand.u32 $0xFFF0, s25;
	v7, _, _ =	vpop (xrf0)  }
0x6c: {  	v4 =	vadd.s32 v4, v7;
	s28 =	smin.u32 s26, $0xF;
	s25 =	sshrl.u32 s25, $0x4  }
0x6d: {  	v5 =	vsub.s32 v4, v5;
	v7 =	vmov s28;
	s25 =	smul.u32 $0x19, s25;
	(xrf0) =	vadd.scan.msk.s32 $0xffff, v6  }
0x6e: {  	v5 =	vperm.xlane v5, v7;
	v7 =	vmov s26  }
0x6f: {  	vm1 =	vgt.u32 v7, v0;
	s25 =	ssub.s32 s23, s25;
	s23 =	smov.u32 s24  }
0x70: {  	v5 =	vsel vm1, $0x0, v5;
	s25 =	sand.u32 $0xFFFF, s25  }
0x71: {  	v4 =	vsub.s32 v4, v5;
	p2 =	seq.s32 s25, $0xC;
	p3 =	seq.s32 s25, $0x0;
	s25 =	simm.s32 $0x8  }
0x72: {  	v5 =	vperm.xlane v4, v2;
	s25 =	simm.s32 @!p2 $0x10  }
0x73: {  	s25 =	simm.s32 @p3 $0x0;
	v7, _, _ =	vpop (xrf0)  }
0x74: {  	v5 =	vadd.s32 v5, v7;
	s26 =	smin.u32 s25, $0xF  }
0x75: {  	v6 =	vsub.s32 v5, v6;
	v7 =	vmov s26  }
0x76: {  	v6 =	vperm.xlane v6, v7;
	v7 =	vmov s25  }
0x77: {  	vm1 =	vgt.u32 v7, v0  }
.Ltmp2:
0x78: {  	v6 =	vsel vm1, $0x0, v6;
	(pc) =	sbr.rel @p1 .LBB2_3-.Ltmp2, $4  }
0x79: {  	v5 =	vsub.s32 v5, v6  }
0x7a: {  	v7 =	vand.u32 $0x1, v4;
	v8 =	vand.u32 $0x1, v5;
	v4 =	vperm.xlane v5, v2  }
0x7b: {  	v5 =	vperm.xlane v7, v1;
	v6 =	vperm.xlane v8, v1  }
0x7c: {  	s24 =	sadd.s32 $0x2, s24;
	s25 =	smul.u32 $0x47AF, s23;
	v7 =	vperm.xlane v7, v3;
	v8 =	vperm.xlane v8, v3  }
0x7d: {  	v5 =	vsel vm0, v5, v6  }
0x7e: {  	s24 =	sadd.s32 $0xFFFFB851, s25;
	v54 =	vsel vm0, v7, v8;
	v5 =	vshll.u32 v5, $0x1  }
0x7f: {  	s26 =	sadd.s32 $0xFFFFFFFF, s23;
	s28 =	sshrl.u32 s24, $0x10;
	v5 =	vadd.s32 v5, v54;
	s24 =	sadd.s32 $0x10, s21  }
0x80: {  	s22 =	sadd.s32 $0x20, s22;
	s31 =	ssub.s32 s26, s28;
	[tilespmem:s24+$0x0] =	vst v5  }
0x81: {  	v5 =	vld [tilespmem:s22+$0xFFFFFFF0];
	s21 =	sand.u32 $0xFFFE, s31  }
0x82: {  	s21 =	sshrl.u32 s21, $0x1  }
0x83: {  	s21 =	sadd.s32 s28, s21  }
0x84: {  	s21 =	sand.u32 $0xFFF0, s21  }
0x85: {  	s21 =	sshrl.u32 s21, $0x4  }
0x86: {  	s21 =	smul.u32 $0x19, s21;
	(xrf0) =	vadd.scan.msk.s32 $0xffff, v5  }
0x87: {  	s29 =	sshrl.u32 s25, $0x10  }
0x88: {  	s30 =	ssub.s32 s23, s29;
	s21 =	ssub.s32 s26, s21  }
0x89: {  	v55 =	vld [tilespmem:s22+$0x0];
	s31 =	sand.u32 $0xFFFE, s30;
	s21 =	sand.u32 $0xFFFF, s21  }
0x8a: {  	s22 =	sshrl.u32 s31, $0x1;
	s26 =	simm.s32 $0x8;
	p1 =	seq.s32 s21, $0xC  }
0x8b: {  	s25 =	sadd.s32 s29, s22;
	p2 =	seq.s32 s21, $0x0;
	s26 =	simm.s32 @!p1 $0x10  }
0x8c: {  	s21 =	sand.u32 $0xFFF0, s25;
	s26 =	simm.s32 @p2 $0x0;
	v56, _, _ =	vpop (xrf0)  }
0x8d: {  	s21 =	sshrl.u32 s21, $0x4;
	v4 =	vadd.s32 v4, v56;
	s28 =	smin.u32 s26, $0xF  }
0x8e: {  	s21 =	smul.u32 $0x19, s21;
	(xrf0) =	vadd.scan.msk.s32 $0xffff, v55;
	v5 =	vsub.s32 v4, v5;
	v57 =	vmov s28  }
0x8f: {  	v58 =	vmov s26;
	v5 =	vperm.xlane v5, v57  }
0x90: {  	vm1 =	vgt.u32 v58, v0;
	s21 =	ssub.s32 s23, s21  }
0x91: {  	s21 =	sand.u32 $0xFFFF, s21;
	v5 =	vsel vm1, $0x0, v5  }
0x92: {  	s22 =	simm.s32 $0x8;
	p1 =	seq.s32 s21, $0xC;
	v4 =	vsub.s32 v4, v5  }
0x93: {  	p2 =	seq.s32 s21, $0x0;
	s22 =	simm.s32 @!p1 $0x10;
	v5 =	vperm.xlane v4, v2  }
0x94: {  	s22 =	simm.s32 @p2 $0x0;
	v59, _, _ =	vpop (xrf0)  }
0x95: {  	s29 =	smin.u32 s22, $0xF;
	v5 =	vadd.s32 v5, v59  }
0x96: {  	v60 =	vmov s29;
	v6 =	vsub.s32 v5, v55  }
0x97: {  	v61 =	vmov s22;
	v6 =	vperm.xlane v6, v60  }
0x98: {  	vm1 =	vgt.u32 v61, v0  }
0x99: {  	v6 =	vsel vm1, $0x0, v6  }
0x9a: {  	v5 =	vsub.s32 v5, v6  }
0x9b: {  	v4 =	vand.u32 $0x1, v4;
	v5 =	vand.u32 $0x1, v5  }
0x9c: {  	v62 =	vperm.xlane v4, v1;
	v63 =	vperm.xlane v5, v1  }
0x9d: {  	s21 =	smul.u32 $0x3200, s20;
	p1 =	sne.s32 s20, $0x7;
	v4 =	vperm.xlane v4, v3;
	v5 =	vperm.xlane v5, v3  }
.Ltmp3:
0x9e: {  	v6 =	vsel vm0, v62, v63;
	(pc) =	sbr.rel @p1 .LBB2_6-.Ltmp3, $4  }
0x9f: {  	s30 =	sadd.s32 s4, s21;
	v4 =	vsel vm0, v4, v5;
	v5 =	vshll.u32 v6, $0x1  }
0xa0: {  	s31 =	sadd.s32 $0x10, s24;
	s22 =	sshrl.u32 s30, $0x4;
	v4 =	vadd.s32 v5, v4  }
0xa1: {  	s22 =	sadd.s32 s5, s22;
	[tilespmem:s31+$0x0] =	vst v4  }
0xa2: {  	[hbm4b:s22+s3] =	stream.linear.scatter [tilespmem:s14], [sflag:$0x3], $0xC80, $0x38;
	[tilespmem:$0x4B00] =	vst v63  }
.Ltmp4:
0xa3: {  	(pc) =	sbr.rel .LBB2_7-.Ltmp4, $4  }
0xa4: {  	_ = 	snop  }
0xa5: {  	_ =	swait.ge [sflag:s15], $0x1900  }
0xa6: {  	[sflag:s15] =	ssyncset.done $0x0  }
0xa7: {  	[sflag:s15] =	ssyncadd.s32 $0xFFFFE700  }
.LBB2_6:
0xa8: {  	s22 =	sadd.s32 s21, s9  }
0xa9: {  	s22 =	sshrl.u32 s22, $0x3  }
.Ltmp5:
0xaa: {  	s22 =	sadd.s32 s2, s22;
	(pc) =	sbr.rel @p0 .LBB2_8-.Ltmp5, $4  }
0xab: {  	[tilespmem:s3], [sflag:$0x1] =	stream.linear.gather [hbm4b:s22+s3], $0x1900, $0x38;
	[tilespmem:$0x4B00] =	vst v63  }
0xac: {  	_ =	swait.ge [sflag:s15], $0x1900  }
0xad: {  	[sflag:s15] =	ssyncset.done $0x0  }
0xae: {  	[sflag:s15] =	ssyncadd.s32 $0xFFFFE700  }
.LBB2_7:
0xaf: {  	_ =	swait.ge [sflag:s16], $0xC80  }
0xb0: {  	[sflag:s16] =	ssyncset.done $0x0  }
0xb1: {  	[sflag:s16] =	ssyncadd.s32 $0xFFFFF380  }
.LBB2_8:
0xb2: {  	s22 =	simm.s32 $0x1  }
0xb3: {  	s22 =	smul.u32 $0x47AF, s22;
	_ =	sdelay $0x1  }
0xb4: {  	s23 =	sadd.s32 $0xFFFFB851, s22  }
0xb5: {  	s23 =	sshrl.u32 s23, $0x10  }
0xb6: {  	s24 =	simm.s32 $0x1910;
	s25 =	ssub.s32 $0x0, s23  }
0xb7: {  	v4 =	vld [tilespmem:s24+$0xFFFFFFF0];
	s25 =	sand.u32 $0xFFFE, s25  }
0xb8: {  	s25 =	sshrl.u32 s25, $0x1  }
0xb9: {  	s23 =	sadd.s32 s23, s25  }
0xba: {  	s23 =	sand.u32 $0xFFF0, s23  }
0xbb: {  	s23 =	sshrl.u32 s23, $0x4  }
0xbc: {  	(xrf0) =	vadd.scan.msk.s32 $0xffff, v4;
	s23 =	smul.u32 $0x19, s23  }
0xbd: {  	s22 =	sshrl.u32 s22, $0x10  }
0xbe: {  	s31 =	ssub.s32 $0x1, s22;
	s23 =	ssub.s32 $0x0, s23  }
0xbf: {  	v5 =	vld [tilespmem:s24+$0x0];
	s26 =	sand.u32 $0xFFFE, s31;
	s23 =	sand.u32 $0xFFFF, s23  }
0xc0: {  	s24 =	sshrl.u32 s26, $0x1;
	s25 =	simm.s32 $0x8;
	p0 =	seq.s32 s23, $0xC  }
0xc1: {  	s22 =	sadd.s32 s22, s24;
	p1 =	seq.s32 s23, $0x0;
	s25 =	simm.s32 @!p0 $0x10  }
0xc2: {  	v6 =	vimm.s32 $0x0;
	s22 =	sand.u32 $0xFFF0, s22;
	v7, _, _ =	vpop (xrf0);
	s25 =	simm.s32 @p1 $0x0  }
0xc3: {  	s22 =	sshrl.u32 s22, $0x4;
	v6 =	vadd.s32 v6, v7;
	s28 =	smin.u32 s25, $0xF  }
0xc4: {  	s22 =	smul.u32 $0x19, s22;
	(xrf0) =	vadd.scan.msk.s32 $0xffff, v5;
	v4 =	vsub.s32 v6, v4;
	v7 =	vmov s28  }
0xc5: {  	v4 =	vperm.xlane v4, v7;
	v7 =	vmov s25  }
0xc6: {  	s22 =	ssub.s32 $0x1, s22;
	vm1 =	vgt.u32 v7, v0  }
0xc7: {  	s22 =	sand.u32 $0xFFFF, s22;
	v4 =	vsel vm1, $0x0, v4  }
0xc8: {  	s23 =	simm.s32 $0x8;
	p0 =	seq.s32 s22, $0xC;
	v4 =	vsub.s32 v6, v4  }
0xc9: {  	p1 =	seq.s32 s22, $0x0;
	s23 =	simm.s32 @!p0 $0x10;
	v6 =	vperm.xlane v4, v2  }
0xca: {  	s23 =	simm.s32 @p1 $0x0;
	v7, _, _ =	vpop (xrf0)  }
0xcb: {  	s29 =	smin.u32 s23, $0xF;
	v6 =	vadd.s32 v6, v7  }
0xcc: {  	v7 =	vmov s29;
	v5 =	vsub.s32 v6, v5  }
0xcd: {  	v5 =	vperm.xlane v5, v7;
	v7 =	vmov s23  }
0xce: {  	vm1 =	vgt.u32 v7, v0  }
0xcf: {  	v5 =	vsel vm1, $0x0, v5  }
0xd0: {  	v5 =	vsub.s32 v6, v5  }
0xd1: {  	v4 =	vand.u32 $0x1, v4;
	v6 =	vand.u32 $0x1, v5  }
0xd2: {  	s30 =	simm.s32 $0x3;
	v7 =	vperm.xlane v4, v1;
	v8 =	vperm.xlane v6, v1  }
0xd3: {  	s31 =	smul.u32 $0x47AF, s30;
	v4 =	vperm.xlane v4, v3;
	v6 =	vperm.xlane v6, v3  }
0xd4: {  	v7 =	vsel vm0, v7, v8  }
0xd5: {  	s26 =	sadd.s32 $0xFFFFB851, s31;
	v4 =	vsel vm0, v4, v6;
	v6 =	vshll.u32 v7, $0x1  }
0xd6: {  	s22 =	simm.s32 $0x3E80;
	s28 =	sshrl.u32 s26, $0x10;
	v4 =	vadd.s32 v6, v4  }
0xd7: {  	s26 =	ssub.s32 $0x2, s28;
	s23 =	simm.s32 $0x1930;
	[tilespmem:s22+$0x0] =	vst v4  }
0xd8: {  	s26 =	sand.u32 $0xFFFE, s26;
	v4 =	vld [tilespmem:s23+$0xFFFFFFF0]  }
0xd9: {  	s26 =	sshrl.u32 s26, $0x1  }
0xda: {  	s25 =	sadd.s32 s28, s26  }
0xdb: {  	s25 =	sand.u32 $0xFFF0, s25  }
0xdc: {  	s25 =	sshrl.u32 s25, $0x4  }
0xdd: {  	s25 =	smul.u32 $0x19, s25;
	(xrf0) =	vadd.scan.msk.s32 $0xffff, v4  }
0xde: {  	s24 =	sshrl.u32 s31, $0x10  }
0xdf: {  	s29 =	ssub.s32 $0x3, s24;
	s25 =	ssub.s32 $0x2, s25  }
0xe0: {  	s26 =	sand.u32 $0xFFFE, s29;
	s25 =	sand.u32 $0xFFFF, s25;
	v6 =	vld [tilespmem:s23+$0x0]  }
0xe1: {  	s28 =	simm.s32 $0x8;
	s26 =	sshrl.u32 s26, $0x1;
	p0 =	seq.s32 s25, $0xC  }
0xe2: {  	s24 =	sadd.s32 s24, s26;
	p1 =	seq.s32 s25, $0x0;
	s28 =	simm.s32 @!p0 $0x10;
	v5 =	vperm.xlane v5, v2  }
0xe3: {  	s24 =	sand.u32 $0xFFF0, s24;
	s28 =	simm.s32 @p1 $0x0;
	v7, _, _ =	vpop (xrf0)  }
0xe4: {  	s24 =	sshrl.u32 s24, $0x4;
	s30 =	smin.u32 s28, $0xF;
	v5 =	vadd.s32 v5, v7  }
0xe5: {  	s24 =	smul.u32 $0x19, s24;
	(xrf0) =	vadd.scan.msk.s32 $0xffff, v6;
	v7 =	vmov s30;
	v4 =	vsub.s32 v5, v4  }
0xe6: {  	v4 =	vperm.xlane v4, v7;
	v7 =	vmov s28  }
0xe7: {  	s24 =	ssub.s32 $0x3, s24;
	vm1 =	vgt.u32 v7, v0  }
0xe8: {  	s24 =	sand.u32 $0xFFFF, s24;
	v4 =	vsel vm1, $0x0, v4  }
0xe9: {  	s25 =	simm.s32 $0x8;
	p0 =	seq.s32 s24, $0xC;
	v4 =	vsub.s32 v5, v4  }
0xea: {  	p1 =	seq.s32 s24, $0x0;
	s25 =	simm.s32 @!p0 $0x10;
	v5 =	vperm.xlane v4, v2  }
0xeb: {  	s25 =	simm.s32 @p1 $0x0;
	v7, _, _ =	vpop (xrf0)  }
0xec: {  	s31 =	smin.u32 s25, $0xF;
	v5 =	vadd.s32 v5, v7  }
0xed: {  	v7 =	vmov s31;
	v6 =	vsub.s32 v5, v6  }
0xee: {  	v6 =	vperm.xlane v6, v7;
	v7 =	vmov s25  }
0xef: {  	vm1 =	vgt.u32 v7, v0  }
0xf0: {  	v6 =	vsel vm1, $0x0, v6  }
0xf1: {  	v5 =	vsub.s32 v5, v6  }
0xf2: {  	v7 =	vand.u32 $0x1, v4;
	v4 =	vperm.xlane v5, v2  }
0xf3: {  	s24 =	simm.s32 $0x5;
	v8 =	vand.u32 $0x1, v5;
	v5 =	vperm.xlane v7, v1;
	v7 =	vperm.xlane v7, v3  }
0xf4: {  	s26 =	smul.u32 $0x47AF, s24;
	s25 =	simm.s32 $0x7;
	v6 =	vperm.xlane v8, v1;
	v8 =	vperm.xlane v8, v3  }
.LBB2_9:
0xf5: {  	_ = 	snop  }
0xf6: {  	p0 =	sne.s32 s25, $0x18F;
	v5 =	vsel vm0, v5, v6;
	s28 =	sadd.s32 $0xFFFFB851, s26  }
0xf7: {  	s29 =	sadd.s32 $0xFFFFFFFF, s24;
	v6 =	vsel vm0, v7, v8;
	v5 =	vshll.u32 v5, $0x1;
	s28 =	sshrl.u32 s28, $0x10  }
0xf8: {  	s22 =	sadd.s32 $0x10, s22;
	v5 =	vadd.s32 v5, v6;
	s30 =	ssub.s32 s29, s28  }
0xf9: {  	s23 =	sadd.s32 $0x20, s23;
	[tilespmem:s22+$0x0] =	vst v5;
	s30 =	sand.u32 $0xFFFE, s30  }
0xfa: {  	v5 =	vld [tilespmem:s23+$0xFFFFFFF0];
	s30 =	sshrl.u32 s30, $0x1  }
0xfb: {  	s28 =	sadd.s32 s28, s30  }
0xfc: {  	s28 =	sand.u32 $0xFFF0, s28  }
0xfd: {  	s28 =	sshrl.u32 s28, $0x4  }
0xfe: {  	s28 =	smul.u32 $0x19, s28  }
0xff: {  	(xrf0) =	vadd.scan.msk.s32 $0xffff, v5  }
0x100: {  	s26 =	sshrl.u32 s26, $0x10;
	s28 =	ssub.s32 s29, s28  }
0x101: {  	s29 =	ssub.s32 s24, s26;
	s28 =	sand.u32 $0xFFFF, s28  }
0x102: {  	v6 =	vld [tilespmem:s23+$0x0];
	s29 =	sand.u32 $0xFFFE, s29;
	p1 =	seq.s32 s28, $0xC  }
0x103: {  	s29 =	sshrl.u32 s29, $0x1;
	p2 =	seq.s32 s28, $0x0;
	s28 =	simm.s32 $0x8  }
0x104: {  	s28 =	simm.s32 @!p1 $0x10;
	s26 =	sadd.s32 s26, s29  }
0x105: {  	s28 =	simm.s32 @p2 $0x0;
	s26 =	sand.u32 $0xFFF0, s26;
	v7, _, _ =	vpop (xrf0)  }
0x106: {  	v4 =	vadd.s32 v4, v7;
	s29 =	smin.u32 s28, $0xF;
	s26 =	sshrl.u32 s26, $0x4  }
0x107: {  	v5 =	vsub.s32 v4, v5;
	v7 =	vmov s29;
	s26 =	smul.u32 $0x19, s26;
	(xrf0) =	vadd.scan.msk.s32 $0xffff, v6  }
0x108: {  	v5 =	vperm.xlane v5, v7;
	v7 =	vmov s28  }
0x109: {  	vm1 =	vgt.u32 v7, v0;
	s26 =	ssub.s32 s24, s26;
	s24 =	smov.u32 s25  }
0x10a: {  	v5 =	vsel vm1, $0x0, v5;
	s26 =	sand.u32 $0xFFFF, s26  }
0x10b: {  	v4 =	vsub.s32 v4, v5;
	p1 =	seq.s32 s26, $0xC;
	p2 =	seq.s32 s26, $0x0;
	s26 =	simm.s32 $0x8  }
0x10c: {  	v5 =	vperm.xlane v4, v2;
	s26 =	simm.s32 @!p1 $0x10  }
0x10d: {  	s26 =	simm.s32 @p2 $0x0;
	v7, _, _ =	vpop (xrf0)  }
0x10e: {  	v5 =	vadd.s32 v5, v7;
	s28 =	smin.u32 s26, $0xF  }
0x10f: {  	v6 =	vsub.s32 v5, v6;
	v7 =	vmov s28  }
0x110: {  	v6 =	vperm.xlane v6, v7;
	v7 =	vmov s26  }
0x111: {  	vm1 =	vgt.u32 v7, v0  }
.Ltmp6:
0x112: {  	v6 =	vsel vm1, $0x0, v6;
	(pc) =	sbr.rel @p0 .LBB2_9-.Ltmp6, $4  }
0x113: {  	v5 =	vsub.s32 v5, v6  }
0x114: {  	v7 =	vand.u32 $0x1, v4;
	v8 =	vand.u32 $0x1, v5;
	v4 =	vperm.xlane v5, v2  }
0x115: {  	v5 =	vperm.xlane v7, v1;
	v6 =	vperm.xlane v8, v1  }
0x116: {  	s25 =	sadd.s32 $0x2, s25;
	s26 =	smul.u32 $0x47AF, s24;
	v7 =	vperm.xlane v7, v3;
	v8 =	vperm.xlane v8, v3  }
0x117: {  	v5 =	vsel vm0, v5, v6  }
0x118: {  	s25 =	sadd.s32 $0xFFFFB851, s26;
	v54 =	vsel vm0, v7, v8;
	v5 =	vshll.u32 v5, $0x1  }
0x119: {  	s28 =	sadd.s32 $0xFFFFFFFF, s24;
	s22 =	sadd.s32 $0x10, s22;
	s25 =	sshrl.u32 s25, $0x10;
	v5 =	vadd.s32 v5, v54  }
0x11a: {  	s23 =	sadd.s32 $0x20, s23;
	s29 =	ssub.s32 s28, s25;
	[tilespmem:s22+$0x0] =	vst v5  }
0x11b: {  	v5 =	vld [tilespmem:s23+$0xFFFFFFF0];
	s29 =	sand.u32 $0xFFFE, s29  }
0x11c: {  	s29 =	sshrl.u32 s29, $0x1  }
0x11d: {  	s25 =	sadd.s32 s25, s29  }
0x11e: {  	s25 =	sand.u32 $0xFFF0, s25  }
0x11f: {  	s25 =	sshrl.u32 s25, $0x4  }
0x120: {  	s25 =	smul.u32 $0x19, s25;
	(xrf0) =	vadd.scan.msk.s32 $0xffff, v5  }
0x121: {  	s29 =	sshrl.u32 s26, $0x10  }
0x122: {  	s30 =	ssub.s32 s24, s29;
	s25 =	ssub.s32 s28, s25  }
0x123: {  	v55 =	vld [tilespmem:s23+$0x0];
	s31 =	sand.u32 $0xFFFE, s30;
	s25 =	sand.u32 $0xFFFF, s25  }
0x124: {  	s23 =	sshrl.u32 s31, $0x1;
	s28 =	simm.s32 $0x8;
	p0 =	seq.s32 s25, $0xC  }
0x125: {  	s23 =	sadd.s32 s29, s23;
	p1 =	seq.s32 s25, $0x0;
	s28 =	simm.s32 @!p0 $0x10  }
0x126: {  	s23 =	sand.u32 $0xFFF0, s23;
	s28 =	simm.s32 @p1 $0x0;
	v56, _, _ =	vpop (xrf0)  }
0x127: {  	s23 =	sshrl.u32 s23, $0x4;
	v4 =	vadd.s32 v4, v56;
	s26 =	smin.u32 s28, $0xF  }
0x128: {  	s23 =	smul.u32 $0x19, s23;
	(xrf0) =	vadd.scan.msk.s32 $0xffff, v55;
	v5 =	vsub.s32 v4, v5;
	v57 =	vmov s26  }
0x129: {  	v58 =	vmov s28;
	v5 =	vperm.xlane v5, v57  }
0x12a: {  	s23 =	ssub.s32 s24, s23;
	vm1 =	vgt.u32 v58, v0  }
0x12b: {  	s23 =	sand.u32 $0xFFFF, s23;
	v5 =	vsel vm1, $0x0, v5  }
0x12c: {  	s24 =	simm.s32 $0x8;
	p0 =	seq.s32 s23, $0xC;
	v4 =	vsub.s32 v4, v5  }
0x12d: {  	p1 =	seq.s32 s23, $0x0;
	s24 =	simm.s32 @!p0 $0x10;
	v5 =	vperm.xlane v4, v2  }
0x12e: {  	s24 =	simm.s32 @p1 $0x0;
	v59, _, _ =	vpop (xrf0)  }
0x12f: {  	s29 =	smin.u32 s24, $0xF;
	v5 =	vadd.s32 v5, v59  }
0x130: {  	v60 =	vmov s29;
	v6 =	vsub.s32 v5, v55  }
0x131: {  	v61 =	vmov s24;
	v6 =	vperm.xlane v6, v60  }
0x132: {  	vm1 =	vgt.u32 v61, v0  }
0x133: {  	v6 =	vsel vm1, $0x0, v6  }
0x134: {  	v5 =	vsub.s32 v5, v6  }
0x135: {  	v4 =	vand.u32 $0x1, v4;
	v5 =	vand.u32 $0x1, v5  }
0x136: {  	v62 =	vperm.xlane v4, v1;
	v63 =	vperm.xlane v5, v1  }
0x137: {  	p0 =	seq.s32 s20, $0x7;
	v4 =	vperm.xlane v4, v3;
	v5 =	vperm.xlane v5, v3  }
.Ltmp7:
0x138: {  	v6 =	vsel vm0, v62, v63;
	(pc) =	sbr.rel @p0 .LBB2_12-.Ltmp7, $4  }
0x139: {  	s30 =	sadd.s32 s21, s6;
	v4 =	vsel vm0, v4, v5;
	v5 =	vshll.u32 v6, $0x1  }
0x13a: {  	s22 =	sadd.s32 $0x10, s22;
	s23 =	sshrl.u32 s30, $0x4;
	v4 =	vadd.s32 v5, v4  }
0x13b: {  	s31 =	sadd.s32 s5, s23;
	[tilespmem:s22+$0x0] =	vst v4  }
0x13c: {  	[hbm4b:s31+s3] =	stream.linear.scatter [tilespmem:s17], [sflag:$0x4], $0xC80, $0x38;
	[tilespmem:$0x4B00] =	vst v63  }
.Ltmp8:
0x13d: {  	(pc) =	sbr.rel .LBB2_2-.Ltmp8, $4  }
0x13e: {  	s21 =	sadd.s32 s21, s10  }
0x13f: {  	s21 =	sshrl.u32 s21, $0x3  }
0x140: {  	s20 =	sadd.s32 $0x1, s20;
	s21 =	sadd.s32 s2, s21  }
0x141: {  	[tilespmem:s12], [sflag:$0x2] =	stream.linear.gather [hbm4b:s21+s3], $0x1900, $0x38;
	[tilespmem:$0x4B00] =	vst v63  }
.LBB2_13:
0x142: {  	_ =	sfence.sel $0x180000  }
0x143: {  	[bflag:$0x0] =	sbarrier.arrive $0xFFFF  }
0x144: {  	p0 =	sne.s32 s0, $0x0;
	_ =	strace $0x90000047  }
0x145: {  	s0 =	sadd.s32 @!p0 $0x100000, s1;
	[bflag:$0x2] =	sbarrier.arrive $0xFFFF  }
0x146: {  	[sflag:s0] =	ssyncadd.tile.s32 @!p0 $0x1;
	_ =	shalt  }
.Lfunc_end2:
_tile_overlayer_lowered:
.L_overlay_start_2:
0x147: {  	(tag) =	ssettag $0x2  }
0x148: {  	s0 =	rddreg [dreg:$0x0];
	s2 =	stileid.u32  }
0x149: {  	s1 =	rddreg [dreg:$0x1];
	p0 =	sne.s32 s2, $0x0  }
0x14a: {  	s3 =	rddreg [dreg:$0x2];
	[bflag:$0x3] =	sbarrier.arrive $0xFFFF;
	s2 =	simm.s32 @!p0 $0x1C05  }
0x14b: {  	[timem:s3], [sflag:s2] =	dma.local @!p0 [hbm:s0], s1  }
0x14c: {  	s0 =	simm.s32 @!p0 $0x5  }
0x14d: {  	_ =	swait.ge @!p0 [sflag:s0], s1  }
0x14e: {  	s1 =	ssub.s32 @!p0 $0x0, s1;
	[sflag:s0] =	ssyncset.done @!p0 $0x0  }
0x14f: {  	[sflag:s0] =	ssyncadd.s32 @!p0 s1  }
0x150: {  	[bflag:$0x3] =	sbarrier.arrive $0xFFFF  }
0x151: {  	_ =	shalt  }

</sc_bundles>
